<compile_context>
chip_gen: v7x
topology: tpu7x:2x2x1
jax: 0.10.2.dev20260603
libtpu: 0.0.44.dev20260713+nightly
codegen_flags: <defaults>
</compile_context>

<pallas_src>
import functools

import jax
import jax.numpy as jnp
from jax import lax
from jax.experimental import pallas as pl
from jax.experimental.pallas import tpu as pltpu
from jax.experimental.pallas import tpu_sc as plsc

DIM = 33
NLUT = 2 * DIM ** 3
NC, NS, L = 2, 16, 16
NW = NC * NS
CHUNK = 2048


def kernel(LUT, x):
    B, C, W, H = x.shape
    P = W * H
    N = B * P
    per_w = N // NW
    n_chunks = per_w // CHUNK
    wpb = P // per_w

    x_flat = x.reshape(B * C, P)
    lut2 = lax.bitcast_convert_type(
        LUT.reshape(3, DIM ** 3).astype(jnp.bfloat16), jnp.uint16
    ).astype(jnp.uint32)
    t01 = lut2[0] | (lut2[1] << 16)
    c2hi = jnp.concatenate([lut2[2, 1:], jnp.zeros((1,), jnp.uint32)])
    t2 = lut2[2] | (c2hi << 16)
    lut_flat = lax.bitcast_convert_type(jnp.concatenate([t01, t2]), jnp.int32)
    inv_binsize = jnp.float32((DIM - 1) / 1.000001)

    mesh = plsc.VectorSubcoreMesh(
        core_axis_name="c", subcore_axis_name="s", num_cores=NC, num_subcores=NS
    )

    buf = lambda: pltpu.VMEM((CHUNK,), jnp.float32)

    @functools.partial(
        pl.kernel,
        out_type=jax.ShapeDtypeStruct((B * C, P), jnp.float32),
        mesh=mesh,
        compiler_params=pltpu.CompilerParams(needs_layout_passes=False),
        scratch_types=(
            [pltpu.VMEM((NLUT,), jnp.int32)]
            + [buf() for _ in range(12)]
            + [pltpu.SemaphoreType.DMA for _ in range(4)]
        ),
    )
    def lut_kernel(lut_hbm, x_hbm, out_hbm, lut_v, *rest):
        ins = ((rest[0], rest[1], rest[2]), (rest[3], rest[4], rest[5]))
        outs = ((rest[6], rest[7], rest[8]), (rest[9], rest[10], rest[11]))
        sem_in = (rest[12], rest[13])
        sem_out = (rest[14], rest[15])

        wid = lax.axis_index("s") * NC + lax.axis_index("c")
        batch = wid // wpb
        base_px = (wid % wpb) * per_w
        row0 = 3 * batch

        def issue_in(j, p):
            start = base_px + j * CHUNK
            for c in range(3):
                pltpu.async_copy(
                    x_hbm.at[row0 + c, pl.ds(start, CHUNK)], ins[p][c], sem_in[p]
                )

        def drain_in(p):
            for c in range(3):
                pltpu.make_async_copy(
                    x_hbm.at[row0, pl.ds(0, CHUNK)], ins[p][c], sem_in[p]
                ).wait()

        def issue_out(j, p):
            start = base_px + j * CHUNK
            for c in range(3):
                pltpu.async_copy(
                    outs[p][c], out_hbm.at[row0 + c, pl.ds(start, CHUNK)], sem_out[p]
                )

        def drain_out(p):
            for c in range(3):
                pltpu.make_async_copy(
                    x_hbm.at[row0, pl.ds(0, CHUNK)], outs[p][c], sem_out[p]
                ).wait()

        offs8 = (0, 1, DIM, DIM + 1,
                 DIM * DIM, DIM * DIM + 1, DIM * DIM + DIM, DIM * DIM + DIM + 1)
        offs4 = (0, DIM, DIM * DIM, DIM * DIM + DIM)

        def view(o):
            a = o & ~7
            return lut_v.at[pl.ds(a, NLUT - a)]

        def compute(p):
            @plsc.parallel_loop(0, CHUNK, L, unroll=2)
            def px_body(off):
                r = ins[p][0][pl.ds(off, L)]
                g = ins[p][1][pl.ds(off, L)]
                b = ins[p][2][pl.ds(off, L)]
                rs = r * inv_binsize
                gs = g * inv_binsize
                bs = b * inv_binsize
                rid = rs.astype(jnp.int32)
                gid = gs.astype(jnp.int32)
                bid = bs.astype(jnp.int32)
                rd = rs - rid.astype(jnp.float32)
                gd = gs - gid.astype(jnp.float32)
                bd = bs - bid.astype(jnp.float32)
                base = rid + gid * DIM + bid * (DIM * DIM)

                ar = 1.0 - rd
                ag = 1.0 - gd
                ab = 1.0 - bd
                p00 = ag * ab
                p10 = gd * ab
                p01 = ag * bd
                p11 = gd * bd
                w = (ar * p00, rd * p00, ar * p10, rd * p10,
                     ar * p01, rd * p01, ar * p11, rd * p11)
                bases = [base]
                for r in range(1, 4):
                    bases.append(bases[-1] + 1)

                acc01 = None
                for k in range(8):
                    o = offs8[k]
                    v = plsc.load_gather(view(o), [bases[o & 7]])
                    vb = plsc.bitcast(v, jnp.bfloat16)
                    wp = plsc.pack(w[k], w[k], format=plsc.PackFormat.INTERLEAVED)
                    t = wp * vb
                    acc01 = t if acc01 is None else acc01 + t
                a0, a1 = plsc.unpack(acc01, format=plsc.PackFormat.INTERLEAVED)
                outs[p][0][pl.ds(off, L)] = a0
                outs[p][1][pl.ds(off, L)] = a1

                acc2 = None
                for k in range(4):
                    o = DIM ** 3 + offs4[k]
                    v = plsc.load_gather(view(o), [bases[o & 7]])
                    vb = plsc.bitcast(v, jnp.bfloat16)
                    wp = plsc.pack(w[2 * k], w[2 * k + 1],
                                   format=plsc.PackFormat.INTERLEAVED)
                    t = wp * vb
                    acc2 = t if acc2 is None else acc2 + t
                b0, b1 = plsc.unpack(acc2, format=plsc.PackFormat.INTERLEAVED)
                outs[p][2][pl.ds(off, L)] = b0 + b1

        issue_in(0, 0)
        issue_in(1, 1)
        pltpu.sync_copy(lut_hbm, lut_v)

        def pair_body(t, _):
            j = 2 * t
            for p in range(2):
                jj = j + p
                drain_in(p)

                @pl.when(jj >= 2)
                def _():
                    drain_out(p)

                compute(p)
                issue_out(jj, p)

                @pl.when(jj + 2 < n_chunks)
                def _():
                    issue_in(jj + 2, p)

            return 0

        lax.fori_loop(0, n_chunks // 2, pair_body, 0)
        drain_out(0)
        drain_out(1)

    out = lut_kernel(lut_flat, x_flat)
    return out.reshape(B, C, W, H)

# --- scband reference (transcript-rebuilt; emitter-appended) ---
"""Pipeline reference for scband-generator3-dlut-zero-231928234069 (READ-ONLY COPY).

The authoritative reference and input builder live on the scoring server;
editing this copy changes nothing except your own understanding.
"""

import jax, jax.numpy as jnp
import numpy as np

DIM = 33

def setup_inputs(seed: int = 0) -> dict:
    key = jax.random.key(seed)
    k1, k2 = jax.random.split(key)
    x = jax.random.uniform(k1, (8, 3, 512, 512), dtype=jnp.float32)
    # Generator3DLUT_zero initializes the LUT parameter to zeros; we use a small
    # random LUT instead so the output / gradients are numerically nontrivial.
    LUT = jax.random.normal(k2, (3, DIM, DIM, DIM), dtype=jnp.float32) * 0.1
    return {"LUT": LUT, "x": x}


def _trilinear_lut(LUT, x):
    # LUT: [3, dim, dim, dim] with memory layout LUT[c, b, g, r] (r fastest),
    # matching the CUDA kernel's flat index id = r + dim*g + dim*dim*b.
    # x: [batch, 3, W, H] with values in [0, 1].
    dim = LUT.shape[-1]
    binsize = 1.000001 / (dim - 1)
    r = x[:, 0]
    g = x[:, 1]
    b = x[:, 2]
    r_id = jnp.clip(jnp.floor(r / binsize).astype(jnp.int32), 0, dim - 2)
    g_id = jnp.clip(jnp.floor(g / binsize).astype(jnp.int32), 0, dim - 2)
    b_id = jnp.clip(jnp.floor(b / binsize).astype(jnp.int32), 0, dim - 2)
    rd = r / binsize - r_id.astype(x.dtype)
    gd = g / binsize - g_id.astype(x.dtype)
    bd = b / binsize - b_id.astype(x.dtype)

    base = r_id + dim * g_id + dim * dim * b_id  # [batch, W, H]
    lutf = LUT.reshape(3, dim * dim * dim)

    def gather(idx):
        return jnp.take(lutf, idx, axis=1)  # [3, batch, W, H]

    o000 = gather(base)
    o100 = gather(base + 1)
    o010 = gather(base + dim)
    o110 = gather(base + dim + 1)
    o001 = gather(base + dim * dim)
    o101 = gather(base + dim * dim + 1)
    o011 = gather(base + dim * dim + dim)
    o111 = gather(base + dim * dim + dim + 1)

    w000 = ((1 - rd) * (1 - gd) * (1 - bd))[None]
    w100 = (rd * (1 - gd) * (1 - bd))[None]
    w010 = ((1 - rd) * gd * (1 - bd))[None]
    w110 = (rd * gd * (1 - bd))[None]
    w001 = ((1 - rd) * (1 - gd) * bd)[None]
    w101 = (rd * (1 - gd) * bd)[None]
    w011 = ((1 - rd) * gd * bd)[None]
    w111 = (rd * gd * bd)[None]

    out = (w000 * o000 + w100 * o100 + w010 * o010 + w110 * o110 +
           w001 * o001 + w101 * o101 + w011 * o011 + w111 * o111)
    # out: [3, batch, W, H] -> [batch, 3, W, H]
    return jnp.transpose(out, (1, 0, 2, 3))


def reference(LUT, x):
    return _trilinear_lut(LUT, x)

if __name__ == "__main__":
    import jax
    _d = setup_inputs()
    print(jax.jit(kernel)(*tuple(_d.values())))

</pallas_src>

<mosaic_0001>
#map = affine_map<(d0, d1) -> (0)>
#map1 = affine_map<(d0, d1) -> (0, 0)>
module attributes {stable_mosaic.version = 14 : i64} {
  func.func @_rewritten_body(%arg0: i32, %arg1: i32, %arg2: memref<71874xi32, #tpu.memory_space<hbm>>, %arg3: memref<24x262144xf32, #tpu.memory_space<hbm>>, %arg4: memref<1xf32, #tpu.memory_space<hbm>>, %arg5: memref<24x262144xf32, #tpu.memory_space<hbm>>, %arg6: memref<71874xi32, #tpu.memory_space<vmem>>, %arg7: memref<2048xf32, #tpu.memory_space<vmem>>, %arg8: memref<2048xf32, #tpu.memory_space<vmem>>, %arg9: memref<2048xf32, #tpu.memory_space<vmem>>, %arg10: memref<2048xf32, #tpu.memory_space<vmem>>, %arg11: memref<2048xf32, #tpu.memory_space<vmem>>, %arg12: memref<2048xf32, #tpu.memory_space<vmem>>, %arg13: memref<2048xf32, #tpu.memory_space<vmem>>, %arg14: memref<2048xf32, #tpu.memory_space<vmem>>, %arg15: memref<2048xf32, #tpu.memory_space<vmem>>, %arg16: memref<2048xf32, #tpu.memory_space<vmem>>, %arg17: memref<2048xf32, #tpu.memory_space<vmem>>, %arg18: memref<2048xf32, #tpu.memory_space<vmem>>, %arg19: memref<!tpu.dma_semaphore, #tpu.memory_space<semaphore_mem>>, %arg20: memref<!tpu.dma_semaphore, #tpu.memory_space<semaphore_mem>>, %arg21: memref<!tpu.dma_semaphore, #tpu.memory_space<semaphore_mem>>, %arg22: memref<!tpu.dma_semaphore, #tpu.memory_space<semaphore_mem>>) attributes {dimension_semantics = [#tpu.dimension_semantics<core_parallel>, #tpu.dimension_semantics<subcore_parallel>], iteration_bounds = array<i64: 2, 16>, scalar_prefetch = 0 : i64, scratch_operands = 17 : i64, tpu.core_type = #tpu.core_type<sc_vector_subcore>, window_params = [{transform_indices = #map}, {transform_indices = #map1}, {transform_indices = #map}, {transform_indices = #map1}]} {
    %empty_ref3A = memref.alloca() : memref<16xf32, #tpu.memory_space<vmem>>
    "tpu.region"() ({
      %run_scoped3A = tpu.sem_alloc : memref<!tpu.dma_semaphore, #tpu.memory_space<semaphore_mem>>
      %dma_start3A_116 = arith.constant 0 : i32
      %dma_start3A_117 = tpu.memref_slice %empty_ref3A[%dma_start3A_116] : memref<16xf32, #tpu.memory_space<vmem>> -> memref<1xf32, #tpu.memory_space<vmem>>
      %dma_start3A_118 = arith.constant 0 : i32
      %dma_start3A_119 = tpu.memref_slice %empty_ref3A[%dma_start3A_118] : memref<16xf32, #tpu.memory_space<vmem>> -> memref<1xf32, #tpu.memory_space<vmem>>
      tpu.enqueue_dma source(%arg4 : memref<1xf32, #tpu.memory_space<hbm>>) target(%dma_start3A_119 : memref<1xf32, #tpu.memory_space<vmem>>) target_semaphore(%run_scoped3A : memref<!tpu.dma_semaphore, #tpu.memory_space<semaphore_mem>>)
      %dma_wait3A_120 = arith.constant 0 : i32
      %dma_wait3A_121 = tpu.memref_slice %empty_ref3A[%dma_wait3A_120] : memref<16xf32, #tpu.memory_space<vmem>> -> memref<1xf32, #tpu.memory_space<vmem>>
      %dma_wait3A_122 = arith.constant 0 : i32
      %dma_wait3A_123 = tpu.memref_slice %empty_ref3A[%dma_wait3A_122] : memref<16xf32, #tpu.memory_space<vmem>> -> memref<1xf32, #tpu.memory_space<vmem>>
      tpu.wait_dma2 semaphore(%run_scoped3A : memref<!tpu.dma_semaphore, #tpu.memory_space<semaphore_mem>>) src(%arg4 : memref<1xf32, #tpu.memory_space<hbm>>) dst(%dma_wait3A_123 : memref<1xf32, #tpu.memory_space<vmem>>)
      tpu.yield
    }) : () -> ()
    %get3A = arith.constant 0 : index
    %get3A_0 = tpu.vector_load %empty_ref3A[%get3A] {strides = array<i32>} : memref<16xf32, #tpu.memory_space<vmem>>, vector<16xf32>,
    %slice3A = vector.extract_strided_slice %get3A_0 {offsets = [0], sizes = [1], strides = [1]} : vector<16xf32> to vector<1xf32>
    %squeeze3A = vector.extract %slice3A[0] : f32 from vector<1xf32>
    %mul3A = arith.constant 2 : i32
    %mul3A_1 = arith.muli %arg1, %mul3A : i32
    %add3A = arith.addi %mul3A_1, %arg0 : i32
    %jit3A = arith.constant 4 : i32
    %div3A = arith.divsi %add3A, %jit3A : i32
    %sign3A = arith.constant 0 : i32
    %sign3A_2 = arith.cmpi sgt, %add3A, %sign3A : i32
    %sign3A_3 = arith.extui %sign3A_2 : i1 to i32
    %sign3A_4 = arith.constant 0 : i32
    %sign3A_5 = arith.cmpi slt, %add3A, %sign3A_4 : i32
    %sign3A_6 = arith.extui %sign3A_5 : i1 to i32
    %sign3A_7 = arith.subi %sign3A_3, %sign3A_6 : i32
    %sign3A_8 = arith.constant 0 : i32
    %sign3A_9 = arith.cmpi sgt, %jit3A, %sign3A_8 : i32
    %sign3A_10 = arith.extui %sign3A_9 : i1 to i32
    %sign3A_11 = arith.constant 0 : i32
    %sign3A_12 = arith.cmpi slt, %jit3A, %sign3A_11 : i32
    %sign3A_13 = arith.extui %sign3A_12 : i1 to i32
    %sign3A_14 = arith.subi %sign3A_10, %sign3A_13 : i32
    %ne3A = arith.cmpi ne, %sign3A_7, %sign3A_14 : i32
    %rem3A = arith.remsi %add3A, %jit3A : i32
    %ne3A_15 = arith.constant 0 : i32
    %ne3A_16 = arith.cmpi ne, %rem3A, %ne3A_15 : i32
    %and3A = arith.andi %ne3A, %ne3A_16 : i1
    %sub3A = arith.constant 1 : i32
    %sub3A_17 = arith.subi %div3A, %sub3A : i32
    %select_n3A = arith.select %and3A, %sub3A_17, %div3A : i32
    %jit3A_18 = arith.constant 4 : i32
    %eq3A = arith.constant 0 : i32
    %eq3A_19 = arith.cmpi eq, %jit3A_18, %eq3A : i32
    %jit3A_20 = arith.constant 1 : i32
    %select_n3A_21 = arith.select %eq3A_19, %jit3A_20, %jit3A_18 : i32
    %rem3A_22 = arith.remsi %add3A, %select_n3A_21 : i32
    %ne3A_23 = arith.constant 0 : i32
    %ne3A_24 = arith.cmpi ne, %rem3A_22, %ne3A_23 : i32
    %lt3A = arith.constant 0 : i32
    %lt3A_25 = arith.cmpi slt, %rem3A_22, %lt3A : i32
    %lt3A_26 = arith.constant 0 : i32
    %lt3A_27 = arith.cmpi slt, %select_n3A_21, %lt3A_26 : i32
    %ne3A_28 = arith.xori %lt3A_25, %lt3A_27 : i1
    %and3A_29 = arith.andi %ne3A_28, %ne3A_24 : i1
    %add3A_30 = arith.addi %rem3A_22, %select_n3A_21 : i32
    %select_n3A_31 = arith.select %and3A_29, %add3A_30, %rem3A_22 : i32
    %mul3A_32 = arith.constant 65536 : i32
    %mul3A_33 = arith.muli %select_n3A_31, %mul3A_32 : i32
    %mul3A_34 = arith.constant 3 : i32
    %mul3A_35 = arith.muli %mul3A_34, %select_n3A : i32
    %add3A_36 = arith.constant 0 : i32
    %add3A_37 = arith.addi %mul3A_33, %add3A_36 : i32
    %add3A_38 = arith.constant 0 : i32
    %add3A_39 = arith.addi %mul3A_35, %add3A_38 : i32
    %dma_start3A = tpu.memref_slice %arg3[%add3A_39, %add3A_37] : memref<24x262144xf32, #tpu.memory_space<hbm>> -> memref<1x2048xf32, #tpu.memory_space<hbm>>
    %dma_start3A_40 = tpu.memref_squeeze %dma_start3A : memref<1x2048xf32, #tpu.memory_space<hbm>> -> memref<2048xf32, #tpu.memory_space<hbm>>
    %dma_start3A_41 = tpu.memref_slice %arg3[%add3A_39, %add3A_37] : memref<24x262144xf32, #tpu.memory_space<hbm>> -> memref<1x2048xf32, #tpu.memory_space<hbm>>
    %dma_start3A_42 = tpu.memref_squeeze %dma_start3A_41 : memref<1x2048xf32, #tpu.memory_space<hbm>> -> memref<2048xf32, #tpu.memory_space<hbm>>
    tpu.enqueue_dma source(%dma_start3A_42 : memref<2048xf32, #tpu.memory_space<hbm>>) target(%arg7 : memref<2048xf32, #tpu.memory_space<vmem>>) target_semaphore(%arg19 : memref<!tpu.dma_semaphore, #tpu.memory_space<semaphore_mem>>)
    %add3A_43 = arith.constant 1 : i32
    %add3A_44 = arith.addi %mul3A_35, %add3A_43 : i32
    %dma_start3A_45 = tpu.memref_slice %arg3[%add3A_44, %add3A_37] : memref<24x262144xf32, #tpu.memory_space<hbm>> -> memref<1x2048xf32, #tpu.memory_space<hbm>>
    %dma_start3A_46 = tpu.memref_squeeze %dma_start3A_45 : memref<1x2048xf32, #tpu.memory_space<hbm>> -> memref<2048xf32, #tpu.memory_space<hbm>>
    %dma_start3A_47 = tpu.memref_slice %arg3[%add3A_44, %add3A_37] : memref<24x262144xf32, #tpu.memory_space<hbm>> -> memref<1x2048xf32, #tpu.memory_space<hbm>>
    %dma_start3A_48 = tpu.memref_squeeze %dma_start3A_47 : memref<1x2048xf32, #tpu.memory_space<hbm>> -> memref<2048xf32, #tpu.memory_space<hbm>>
    tpu.enqueue_dma source(%dma_start3A_48 : memref<2048xf32, #tpu.memory_space<hbm>>) target(%arg8 : memref<2048xf32, #tpu.memory_space<vmem>>) target_semaphore(%arg19 : memref<!tpu.dma_semaphore, #tpu.memory_space<semaphore_mem>>)
    %add3A_49 = arith.constant 2 : i32
    %add3A_50 = arith.addi %mul3A_35, %add3A_49 : i32
    %dma_start3A_51 = tpu.memref_slice %arg3[%add3A_50, %add3A_37] : memref<24x262144xf32, #tpu.memory_space<hbm>> -> memref<1x2048xf32, #tpu.memory_space<hbm>>
    %dma_start3A_52 = tpu.memref_squeeze %dma_start3A_51 : memref<1x2048xf32, #tpu.memory_space<hbm>> -> memref<2048xf32, #tpu.memory_space<hbm>>
    %dma_start3A_53 = tpu.memref_slice %arg3[%add3A_50, %add3A_37] : memref<24x262144xf32, #tpu.memory_space<hbm>> -> memref<1x2048xf32, #tpu.memory_space<hbm>>
    %dma_start3A_54 = tpu.memref_squeeze %dma_start3A_53 : memref<1x2048xf32, #tpu.memory_space<hbm>> -> memref<2048xf32, #tpu.memory_space<hbm>>
    tpu.enqueue_dma source(%dma_start3A_54 : memref<2048xf32, #tpu.memory_space<hbm>>) target(%arg9 : memref<2048xf32, #tpu.memory_space<vmem>>) target_semaphore(%arg19 : memref<!tpu.dma_semaphore, #tpu.memory_space<semaphore_mem>>)
    %add3A_55 = arith.constant 2048 : i32
    %add3A_56 = arith.addi %mul3A_33, %add3A_55 : i32
    %add3A_57 = arith.constant 0 : i32
    %add3A_58 = arith.addi %mul3A_35, %add3A_57 : i32
    %dma_start3A_59 = tpu.memref_slice %arg3[%add3A_58, %add3A_56] : memref<24x262144xf32, #tpu.memory_space<hbm>> -> memref<1x2048xf32, #tpu.memory_space<hbm>>
    %dma_start3A_60 = tpu.memref_squeeze %dma_start3A_59 : memref<1x2048xf32, #tpu.memory_space<hbm>> -> memref<2048xf32, #tpu.memory_space<hbm>>
    %dma_start3A_61 = tpu.memref_slice %arg3[%add3A_58, %add3A_56] : memref<24x262144xf32, #tpu.memory_space<hbm>> -> memref<1x2048xf32, #tpu.memory_space<hbm>>
    %dma_start3A_62 = tpu.memref_squeeze %dma_start3A_61 : memref<1x2048xf32, #tpu.memory_space<hbm>> -> memref<2048xf32, #tpu.memory_space<hbm>>
    tpu.enqueue_dma source(%dma_start3A_62 : memref<2048xf32, #tpu.memory_space<hbm>>) target(%arg10 : memref<2048xf32, #tpu.memory_space<vmem>>) target_semaphore(%arg20 : memref<!tpu.dma_semaphore, #tpu.memory_space<semaphore_mem>>)
    %add3A_63 = arith.constant 1 : i32
    %add3A_64 = arith.addi %mul3A_35, %add3A_63 : i32
    %dma_start3A_65 = tpu.memref_slice %arg3[%add3A_64, %add3A_56] : memref<24x262144xf32, #tpu.memory_space<hbm>> -> memref<1x2048xf32, #tpu.memory_space<hbm>>
    %dma_start3A_66 = tpu.memref_squeeze %dma_start3A_65 : memref<1x2048xf32, #tpu.memory_space<hbm>> -> memref<2048xf32, #tpu.memory_space<hbm>>
    %dma_start3A_67 = tpu.memref_slice %arg3[%add3A_64, %add3A_56] : memref<24x262144xf32, #tpu.memory_space<hbm>> -> memref<1x2048xf32, #tpu.memory_space<hbm>>
    %dma_start3A_68 = tpu.memref_squeeze %dma_start3A_67 : memref<1x2048xf32, #tpu.memory_space<hbm>> -> memref<2048xf32, #tpu.memory_space<hbm>>
    tpu.enqueue_dma source(%dma_start3A_68 : memref<2048xf32, #tpu.memory_space<hbm>>) target(%arg11 : memref<2048xf32, #tpu.memory_space<vmem>>) target_semaphore(%arg20 : memref<!tpu.dma_semaphore, #tpu.memory_space<semaphore_mem>>)
    %add3A_69 = arith.constant 2 : i32
    %add3A_70 = arith.addi %mul3A_35, %add3A_69 : i32
    %dma_start3A_71 = tpu.memref_slice %arg3[%add3A_70, %add3A_56] : memref<24x262144xf32, #tpu.memory_space<hbm>> -> memref<1x2048xf32, #tpu.memory_space<hbm>>
    %dma_start3A_72 = tpu.memref_squeeze %dma_start3A_71 : memref<1x2048xf32, #tpu.memory_space<hbm>> -> memref<2048xf32, #tpu.memory_space<hbm>>
    %dma_start3A_73 = tpu.memref_slice %arg3[%add3A_70, %add3A_56] : memref<24x262144xf32, #tpu.memory_space<hbm>> -> memref<1x2048xf32, #tpu.memory_space<hbm>>
    %dma_start3A_74 = tpu.memref_squeeze %dma_start3A_73 : memref<1x2048xf32, #tpu.memory_space<hbm>> -> memref<2048xf32, #tpu.memory_space<hbm>>
    tpu.enqueue_dma source(%dma_start3A_74 : memref<2048xf32, #tpu.memory_space<hbm>>) target(%arg12 : memref<2048xf32, #tpu.memory_space<vmem>>) target_semaphore(%arg20 : memref<!tpu.dma_semaphore, #tpu.memory_space<semaphore_mem>>)
    "tpu.region"() ({
      %run_scoped3A = tpu.sem_alloc : memref<!tpu.dma_semaphore, #tpu.memory_space<semaphore_mem>>
      tpu.enqueue_dma source(%arg2 : memref<71874xi32, #tpu.memory_space<hbm>>) target(%arg6 : memref<71874xi32, #tpu.memory_space<vmem>>) target_semaphore(%run_scoped3A : memref<!tpu.dma_semaphore, #tpu.memory_space<semaphore_mem>>)
      tpu.wait_dma2 semaphore(%run_scoped3A : memref<!tpu.dma_semaphore, #tpu.memory_space<semaphore_mem>>) src(%arg2 : memref<71874xi32, #tpu.memory_space<hbm>>) dst(%arg6 : memref<71874xi32, #tpu.memory_space<vmem>>)
      tpu.yield
    }) : () -> ()
    %scan3A = arith.constant 0 : i32
    %scan3A_75 = arith.constant 0 : i32
    %scan3A_76 = arith.constant 16 : i32
    %scan3A_77 = arith.addi %scan3A_75, %scan3A_76 : i32
    %scan3A_78 = arith.constant 1 : i32
    %scan3A_79 = scf.for %scan3A_116 = %scan3A_75 to %scan3A_77 step %scan3A_78 iter_args(%scan3A_117 = %scan3A) -> (i32)  : i32 {
      %mul3A_118 = arith.constant 2 : i32
      %mul3A_119 = arith.muli %mul3A_118, %scan3A_116 : i32
      %add3A_120 = arith.constant 0 : i32
      %add3A_121 = arith.addi %mul3A_119, %add3A_120 : i32
      %dma_wait3A_122 = arith.constant 0 : i32
      %dma_wait3A_123 = tpu.memref_slice %arg3[%mul3A_35, %dma_wait3A_122] : memref<24x262144xf32, #tpu.memory_space<hbm>> -> memref<1x2048xf32, #tpu.memory_space<hbm>>
      %dma_wait3A_124 = tpu.memref_squeeze %dma_wait3A_123 : memref<1x2048xf32, #tpu.memory_space<hbm>> -> memref<2048xf32, #tpu.memory_space<hbm>>
      %dma_wait3A_125 = arith.constant 0 : i32
      %dma_wait3A_126 = tpu.memref_slice %arg3[%mul3A_35, %dma_wait3A_125] : memref<24x262144xf32, #tpu.memory_space<hbm>> -> memref<1x2048xf32, #tpu.memory_space<hbm>>
      %dma_wait3A_127 = tpu.memref_squeeze %dma_wait3A_126 : memref<1x2048xf32, #tpu.memory_space<hbm>> -> memref<2048xf32, #tpu.memory_space<hbm>>
      tpu.wait_dma2 semaphore(%arg19 : memref<!tpu.dma_semaphore, #tpu.memory_space<semaphore_mem>>) src(%dma_wait3A_127 : memref<2048xf32, #tpu.memory_space<hbm>>) dst(%arg7 : memref<2048xf32, #tpu.memory_space<vmem>>)
      %dma_wait3A_128 = arith.constant 0 : i32
      %dma_wait3A_129 = tpu.memref_slice %arg3[%mul3A_35, %dma_wait3A_128] : memref<24x262144xf32, #tpu.memory_space<hbm>> -> memref<1x2048xf32, #tpu.memory_space<hbm>>
      %dma_wait3A_130 = tpu.memref_squeeze %dma_wait3A_129 : memref<1x2048xf32, #tpu.memory_space<hbm>> -> memref<2048xf32, #tpu.memory_space<hbm>>
      %dma_wait3A_131 = arith.constant 0 : i32
      %dma_wait3A_132 = tpu.memref_slice %arg3[%mul3A_35, %dma_wait3A_131] : memref<24x262144xf32, #tpu.memory_space<hbm>> -> memref<1x2048xf32, #tpu.memory_space<hbm>>
      %dma_wait3A_133 = tpu.memref_squeeze %dma_wait3A_132 : memref<1x2048xf32, #tpu.memory_space<hbm>> -> memref<2048xf32, #tpu.memory_space<hbm>>
      tpu.wait_dma2 semaphore(%arg19 : memref<!tpu.dma_semaphore, #tpu.memory_space<semaphore_mem>>) src(%dma_wait3A_133 : memref<2048xf32, #tpu.memory_space<hbm>>) dst(%arg8 : memref<2048xf32, #tpu.memory_space<vmem>>)
      %dma_wait3A_134 = arith.constant 0 : i32
      %dma_wait3A_135 = tpu.memref_slice %arg3[%mul3A_35, %dma_wait3A_134] : memref<24x262144xf32, #tpu.memory_space<hbm>> -> memref<1x2048xf32, #tpu.memory_space<hbm>>
      %dma_wait3A_136 = tpu.memref_squeeze %dma_wait3A_135 : memref<1x2048xf32, #tpu.memory_space<hbm>> -> memref<2048xf32, #tpu.memory_space<hbm>>
      %dma_wait3A_137 = arith.constant 0 : i32
      %dma_wait3A_138 = tpu.memref_slice %arg3[%mul3A_35, %dma_wait3A_137] : memref<24x262144xf32, #tpu.memory_space<hbm>> -> memref<1x2048xf32, #tpu.memory_space<hbm>>
      %dma_wait3A_139 = tpu.memref_squeeze %dma_wait3A_138 : memref<1x2048xf32, #tpu.memory_space<hbm>> -> memref<2048xf32, #tpu.memory_space<hbm>>
      tpu.wait_dma2 semaphore(%arg19 : memref<!tpu.dma_semaphore, #tpu.memory_space<semaphore_mem>>) src(%dma_wait3A_139 : memref<2048xf32, #tpu.memory_space<hbm>>) dst(%arg9 : memref<2048xf32, #tpu.memory_space<vmem>>)
      %ge3A = arith.constant 2 : i32
      %ge3A_140 = arith.cmpi sge, %add3A_121, %ge3A : i32
      %convert_element_type3A = arith.extui %ge3A_140 : i1 to i32
      %cond3A = arith.constant 0 : i32
      %cond3A_141 = arith.cmpi ne, %convert_element_type3A, %cond3A : i32
      scf.if %cond3A_141 {
        %dma_wait3A_229 = arith.constant 0 : i32
        %dma_wait3A_230 = tpu.memref_slice %arg3[%mul3A_35, %dma_wait3A_229] : memref<24x262144xf32, #tpu.memory_space<hbm>> -> memref<1x2048xf32, #tpu.memory_space<hbm>>
        %dma_wait3A_231 = tpu.memref_squeeze %dma_wait3A_230 : memref<1x2048xf32, #tpu.memory_space<hbm>> -> memref<2048xf32, #tpu.memory_space<hbm>>
        %dma_wait3A_232 = arith.constant 0 : i32
        %dma_wait3A_233 = tpu.memref_slice %arg3[%mul3A_35, %dma_wait3A_232] : memref<24x262144xf32, #tpu.memory_space<hbm>> -> memref<1x2048xf32, #tpu.memory_space<hbm>>
        %dma_wait3A_234 = tpu.memref_squeeze %dma_wait3A_233 : memref<1x2048xf32, #tpu.memory_space<hbm>> -> memref<2048xf32, #tpu.memory_space<hbm>>
        tpu.wait_dma2 semaphore(%arg21 : memref<!tpu.dma_semaphore, #tpu.memory_space<semaphore_mem>>) src(%dma_wait3A_234 : memref<2048xf32, #tpu.memory_space<hbm>>) dst(%arg13 : memref<2048xf32, #tpu.memory_space<vmem>>)
        %dma_wait3A_235 = arith.constant 0 : i32
        %dma_wait3A_236 = tpu.memref_slice %arg3[%mul3A_35, %dma_wait3A_235] : memref<24x262144xf32, #tpu.memory_space<hbm>> -> memref<1x2048xf32, #tpu.memory_space<hbm>>
        %dma_wait3A_237 = tpu.memref_squeeze %dma_wait3A_236 : memref<1x2048xf32, #tpu.memory_space<hbm>> -> memref<2048xf32, #tpu.memory_space<hbm>>
        %dma_wait3A_238 = arith.constant 0 : i32
        %dma_wait3A_239 = tpu.memref_slice %arg3[%mul3A_35, %dma_wait3A_238] : memref<24x262144xf32, #tpu.memory_space<hbm>> -> memref<1x2048xf32, #tpu.memory_space<hbm>>
        %dma_wait3A_240 = tpu.memref_squeeze %dma_wait3A_239 : memref<1x2048xf32, #tpu.memory_space<hbm>> -> memref<2048xf32, #tpu.memory_space<hbm>>
        tpu.wait_dma2 semaphore(%arg21 : memref<!tpu.dma_semaphore, #tpu.memory_space<semaphore_mem>>) src(%dma_wait3A_240 : memref<2048xf32, #tpu.memory_space<hbm>>) dst(%arg14 : memref<2048xf32, #tpu.memory_space<vmem>>)
        %dma_wait3A_241 = arith.constant 0 : i32
        %dma_wait3A_242 = tpu.memref_slice %arg3[%mul3A_35, %dma_wait3A_241] : memref<24x262144xf32, #tpu.memory_space<hbm>> -> memref<1x2048xf32, #tpu.memory_space<hbm>>
        %dma_wait3A_243 = tpu.memref_squeeze %dma_wait3A_242 : memref<1x2048xf32, #tpu.memory_space<hbm>> -> memref<2048xf32, #tpu.memory_space<hbm>>
        %dma_wait3A_244 = arith.constant 0 : i32
        %dma_wait3A_245 = tpu.memref_slice %arg3[%mul3A_35, %dma_wait3A_244] : memref<24x262144xf32, #tpu.memory_space<hbm>> -> memref<1x2048xf32, #tpu.memory_space<hbm>>
        %dma_wait3A_246 = tpu.memref_squeeze %dma_wait3A_245 : memref<1x2048xf32, #tpu.memory_space<hbm>> -> memref<2048xf32, #tpu.memory_space<hbm>>
        tpu.wait_dma2 semaphore(%arg21 : memref<!tpu.dma_semaphore, #tpu.memory_space<semaphore_mem>>) src(%dma_wait3A_246 : memref<2048xf32, #tpu.memory_space<hbm>>) dst(%arg15 : memref<2048xf32, #tpu.memory_space<vmem>>)
      } else {
      }
      %parallel_loop3A = arith.constant 0 : i32
      %parallel_loop3A_142 = arith.constant 2048 : i32
      %parallel_loop3A_143 = arith.constant 16 : i32
      scf.for %parallel_loop3A_229 = %parallel_loop3A to %parallel_loop3A_142 step %parallel_loop3A_143  : i32 {
        %parallel_loop3A_230 = arith.index_cast %parallel_loop3A_229 : i32 to index
        %parallel_loop3A_231 = tpu.vector_load %arg7[%parallel_loop3A_230] {strides = array<i32>} : memref<2048xf32, #tpu.memory_space<vmem>>, vector<16xf32>,
        %parallel_loop3A_232 = arith.index_cast %parallel_loop3A_229 : i32 to index
        %parallel_loop3A_233 = tpu.vector_load %arg8[%parallel_loop3A_232] {strides = array<i32>} : memref<2048xf32, #tpu.memory_space<vmem>>, vector<16xf32>,
        %parallel_loop3A_234 = arith.index_cast %parallel_loop3A_229 : i32 to index
        %parallel_loop3A_235 = tpu.vector_load %arg9[%parallel_loop3A_234] {strides = array<i32>} : memref<2048xf32, #tpu.memory_space<vmem>>, vector<16xf32>,
        %parallel_loop3A_236 = vector.broadcast %squeeze3A : f32 to vector<16xf32>
        %parallel_loop3A_237 = arith.mulf %parallel_loop3A_231, %parallel_loop3A_236 : vector<16xf32>
        %parallel_loop3A_238 = vector.broadcast %squeeze3A : f32 to vector<16xf32>
        %parallel_loop3A_239 = arith.mulf %parallel_loop3A_233, %parallel_loop3A_238 : vector<16xf32>
        %parallel_loop3A_240 = vector.broadcast %squeeze3A : f32 to vector<16xf32>
        %parallel_loop3A_241 = arith.mulf %parallel_loop3A_235, %parallel_loop3A_240 : vector<16xf32>
        %parallel_loop3A_242 = arith.fptosi %parallel_loop3A_237 : vector<16xf32> to vector<16xi32>
        %parallel_loop3A_243 = arith.fptosi %parallel_loop3A_239 : vector<16xf32> to vector<16xi32>
        %parallel_loop3A_244 = arith.fptosi %parallel_loop3A_241 : vector<16xf32> to vector<16xi32>
        %parallel_loop3A_245 = arith.sitofp %parallel_loop3A_242 : vector<16xi32> to vector<16xf32>
        %parallel_loop3A_246 = arith.subf %parallel_loop3A_237, %parallel_loop3A_245 : vector<16xf32>
        %parallel_loop3A_247 = arith.sitofp %parallel_loop3A_243 : vector<16xi32> to vector<16xf32>
        %parallel_loop3A_248 = arith.subf %parallel_loop3A_239, %parallel_loop3A_247 : vector<16xf32>
        %parallel_loop3A_249 = arith.sitofp %parallel_loop3A_244 : vector<16xi32> to vector<16xf32>
        %parallel_loop3A_250 = arith.subf %parallel_loop3A_241, %parallel_loop3A_249 : vector<16xf32>
        %parallel_loop3A_251 = arith.constant 33 : i32
        %parallel_loop3A_252 = vector.broadcast %parallel_loop3A_251 : i32 to vector<16xi32>
        %parallel_loop3A_253 = arith.muli %parallel_loop3A_243, %parallel_loop3A_252 : vector<16xi32>
        %parallel_loop3A_254 = arith.addi %parallel_loop3A_242, %parallel_loop3A_253 : vector<16xi32>
        %parallel_loop3A_255 = arith.constant 1089 : i32
        %parallel_loop3A_256 = vector.broadcast %parallel_loop3A_255 : i32 to vector<16xi32>
        %parallel_loop3A_257 = arith.muli %parallel_loop3A_244, %parallel_loop3A_256 : vector<16xi32>
        %parallel_loop3A_258 = arith.addi %parallel_loop3A_254, %parallel_loop3A_257 : vector<16xi32>
        %parallel_loop3A_259 = arith.constant 1.000000e+00 : f32
        %parallel_loop3A_260 = vector.broadcast %parallel_loop3A_259 : f32 to vector<16xf32>
        %parallel_loop3A_261 = arith.subf %parallel_loop3A_260, %parallel_loop3A_246 : vector<16xf32>
        %parallel_loop3A_262 = arith.constant 1.000000e+00 : f32
        %parallel_loop3A_263 = vector.broadcast %parallel_loop3A_262 : f32 to vector<16xf32>
        %parallel_loop3A_264 = arith.subf %parallel_loop3A_263, %parallel_loop3A_248 : vector<16xf32>
        %parallel_loop3A_265 = arith.constant 1.000000e+00 : f32
        %parallel_loop3A_266 = vector.broadcast %parallel_loop3A_265 : f32 to vector<16xf32>
        %parallel_loop3A_267 = arith.subf %parallel_loop3A_266, %parallel_loop3A_250 : vector<16xf32>
        %parallel_loop3A_268 = arith.mulf %parallel_loop3A_264, %parallel_loop3A_267 : vector<16xf32>
        %parallel_loop3A_269 = arith.mulf %parallel_loop3A_248, %parallel_loop3A_267 : vector<16xf32>
        %parallel_loop3A_270 = arith.mulf %parallel_loop3A_264, %parallel_loop3A_250 : vector<16xf32>
        %parallel_loop3A_271 = arith.mulf %parallel_loop3A_248, %parallel_loop3A_250 : vector<16xf32>
        %parallel_loop3A_272 = arith.mulf %parallel_loop3A_261, %parallel_loop3A_268 : vector<16xf32>
        %parallel_loop3A_273 = arith.mulf %parallel_loop3A_246, %parallel_loop3A_268 : vector<16xf32>
        %parallel_loop3A_274 = arith.mulf %parallel_loop3A_261, %parallel_loop3A_269 : vector<16xf32>
        %parallel_loop3A_275 = arith.mulf %parallel_loop3A_246, %parallel_loop3A_269 : vector<16xf32>
        %parallel_loop3A_276 = arith.mulf %parallel_loop3A_261, %parallel_loop3A_270 : vector<16xf32>
        %parallel_loop3A_277 = arith.mulf %parallel_loop3A_246, %parallel_loop3A_270 : vector<16xf32>
        %parallel_loop3A_278 = arith.mulf %parallel_loop3A_261, %parallel_loop3A_271 : vector<16xf32>
        %parallel_loop3A_279 = arith.mulf %parallel_loop3A_246, %parallel_loop3A_271 : vector<16xf32>
        %parallel_loop3A_280 = arith.constant 1 : i32
        %parallel_loop3A_281 = vector.broadcast %parallel_loop3A_280 : i32 to vector<16xi32>
        %parallel_loop3A_282 = arith.addi %parallel_loop3A_258, %parallel_loop3A_281 : vector<16xi32>
        %parallel_loop3A_283 = arith.constant 1 : i32
        %parallel_loop3A_284 = vector.broadcast %parallel_loop3A_283 : i32 to vector<16xi32>
        %parallel_loop3A_285 = arith.addi %parallel_loop3A_282, %parallel_loop3A_284 : vector<16xi32>
        %parallel_loop3A_286 = arith.constant 1 : i32
        %parallel_loop3A_287 = vector.broadcast %parallel_loop3A_286 : i32 to vector<16xi32>
        %parallel_loop3A_288 = arith.addi %parallel_loop3A_285, %parallel_loop3A_287 : vector<16xi32>
        %parallel_loop3A_289 = arith.constant 0 : i32
        %parallel_loop3A_290 = tpu.memref_slice %arg6[%parallel_loop3A_289] : memref<71874xi32, #tpu.memory_space<vmem>> -> memref<71874xi32, #tpu.memory_space<vmem>>
        %parallel_loop3A_291 = tpu.vector_load_idx %parallel_loop3A_290[%parallel_loop3A_258] : memref<71874xi32, #tpu.memory_space<vmem>>[vector<16xi32>], vector<16xi32>,
        %parallel_loop3A_292 = vector.bitcast %parallel_loop3A_291 : vector<16xi32> to vector<32xbf16>
        %parallel_loop3A_293 = tpu.pack_subelements %parallel_loop3A_272, %parallel_loop3A_272 {pack_format = #tpu.pack_format<interleaved>, positions = array<i32: 0, 1>} : vector<16xf32>, vector<16xf32> -> vector<32xbf16>
        %parallel_loop3A_294 = arith.mulf %parallel_loop3A_293, %parallel_loop3A_292 : vector<32xbf16>
        %parallel_loop3A_295 = arith.constant 0 : i32
        %parallel_loop3A_296 = tpu.memref_slice %arg6[%parallel_loop3A_295] : memref<71874xi32, #tpu.memory_space<vmem>> -> memref<71874xi32, #tpu.memory_space<vmem>>
        %parallel_loop3A_297 = tpu.vector_load_idx %parallel_loop3A_296[%parallel_loop3A_282] : memref<71874xi32, #tpu.memory_space<vmem>>[vector<16xi32>], vector<16xi32>,
        %parallel_loop3A_298 = vector.bitcast %parallel_loop3A_297 : vector<16xi32> to vector<32xbf16>
        %parallel_loop3A_299 = tpu.pack_subelements %parallel_loop3A_273, %parallel_loop3A_273 {pack_format = #tpu.pack_format<interleaved>, positions = array<i32: 0, 1>} : vector<16xf32>, vector<16xf32> -> vector<32xbf16>
        %parallel_loop3A_300 = arith.mulf %parallel_loop3A_299, %parallel_loop3A_298 : vector<32xbf16>
        %parallel_loop3A_301 = arith.addf %parallel_loop3A_294, %parallel_loop3A_300 : vector<32xbf16>
        %parallel_loop3A_302 = arith.constant 32 : i32
        %parallel_loop3A_303 = tpu.memref_slice %arg6[%parallel_loop3A_302] : memref<71874xi32, #tpu.memory_space<vmem>> -> memref<71842xi32, #tpu.memory_space<vmem>>
        %parallel_loop3A_304 = tpu.vector_load_idx %parallel_loop3A_303[%parallel_loop3A_282] : memref<71842xi32, #tpu.memory_space<vmem>>[vector<16xi32>], vector<16xi32>,
        %parallel_loop3A_305 = vector.bitcast %parallel_loop3A_304 : vector<16xi32> to vector<32xbf16>
        %parallel_loop3A_306 = tpu.pack_subelements %parallel_loop3A_274, %parallel_loop3A_274 {pack_format = #tpu.pack_format<interleaved>, positions = array<i32: 0, 1>} : vector<16xf32>, vector<16xf32> -> vector<32xbf16>
        %parallel_loop3A_307 = arith.mulf %parallel_loop3A_306, %parallel_loop3A_305 : vector<32xbf16>
        %parallel_loop3A_308 = arith.addf %parallel_loop3A_301, %parallel_loop3A_307 : vector<32xbf16>
        %parallel_loop3A_309 = arith.constant 32 : i32
        %parallel_loop3A_310 = tpu.memref_slice %arg6[%parallel_loop3A_309] : memref<71874xi32, #tpu.memory_space<vmem>> -> memref<71842xi32, #tpu.memory_space<vmem>>
        %parallel_loop3A_311 = tpu.vector_load_idx %parallel_loop3A_310[%parallel_loop3A_285] : memref<71842xi32, #tpu.memory_space<vmem>>[vector<16xi32>], vector<16xi32>,
        %parallel_loop3A_312 = vector.bitcast %parallel_loop3A_311 : vector<16xi32> to vector<32xbf16>
        %parallel_loop3A_313 = tpu.pack_subelements %parallel_loop3A_275, %parallel_loop3A_275 {pack_format = #tpu.pack_format<interleaved>, positions = array<i32: 0, 1>} : vector<16xf32>, vector<16xf32> -> vector<32xbf16>
        %parallel_loop3A_314 = arith.mulf %parallel_loop3A_313, %parallel_loop3A_312 : vector<32xbf16>
        %parallel_loop3A_315 = arith.addf %parallel_loop3A_308, %parallel_loop3A_314 : vector<32xbf16>
        %parallel_loop3A_316 = arith.constant 1088 : i32
        %parallel_loop3A_317 = tpu.memref_slice %arg6[%parallel_loop3A_316] : memref<71874xi32, #tpu.memory_space<vmem>> -> memref<70786xi32, #tpu.memory_space<vmem>>
        %parallel_loop3A_318 = tpu.vector_load_idx %parallel_loop3A_317[%parallel_loop3A_282] : memref<70786xi32, #tpu.memory_space<vmem>>[vector<16xi32>], vector<16xi32>,
        %parallel_loop3A_319 = vector.bitcast %parallel_loop3A_318 : vector<16xi32> to vector<32xbf16>
        %parallel_loop3A_320 = tpu.pack_subelements %parallel_loop3A_276, %parallel_loop3A_276 {pack_format = #tpu.pack_format<interleaved>, positions = array<i32: 0, 1>} : vector<16xf32>, vector<16xf32> -> vector<32xbf16>
        %parallel_loop3A_321 = arith.mulf %parallel_loop3A_320, %parallel_loop3A_319 : vector<32xbf16>
        %parallel_loop3A_322 = arith.addf %parallel_loop3A_315, %parallel_loop3A_321 : vector<32xbf16>
        %parallel_loop3A_323 = arith.constant 1088 : i32
        %parallel_loop3A_324 = tpu.memref_slice %arg6[%parallel_loop3A_323] : memref<71874xi32, #tpu.memory_space<vmem>> -> memref<70786xi32, #tpu.memory_space<vmem>>
        %parallel_loop3A_325 = tpu.vector_load_idx %parallel_loop3A_324[%parallel_loop3A_285] : memref<70786xi32, #tpu.memory_space<vmem>>[vector<16xi32>], vector<16xi32>,
        %parallel_loop3A_326 = vector.bitcast %parallel_loop3A_325 : vector<16xi32> to vector<32xbf16>
        %parallel_loop3A_327 = tpu.pack_subelements %parallel_loop3A_277, %parallel_loop3A_277 {pack_format = #tpu.pack_format<interleaved>, positions = array<i32: 0, 1>} : vector<16xf32>, vector<16xf32> -> vector<32xbf16>
        %parallel_loop3A_328 = arith.mulf %parallel_loop3A_327, %parallel_loop3A_326 : vector<32xbf16>
        %parallel_loop3A_329 = arith.addf %parallel_loop3A_322, %parallel_loop3A_328 : vector<32xbf16>
        %parallel_loop3A_330 = arith.constant 1120 : i32
        %parallel_loop3A_331 = tpu.memref_slice %arg6[%parallel_loop3A_330] : memref<71874xi32, #tpu.memory_space<vmem>> -> memref<70754xi32, #tpu.memory_space<vmem>>
        %parallel_loop3A_332 = tpu.vector_load_idx %parallel_loop3A_331[%parallel_loop3A_285] : memref<70754xi32, #tpu.memory_space<vmem>>[vector<16xi32>], vector<16xi32>,
        %parallel_loop3A_333 = vector.bitcast %parallel_loop3A_332 : vector<16xi32> to vector<32xbf16>
        %parallel_loop3A_334 = tpu.pack_subelements %parallel_loop3A_278, %parallel_loop3A_278 {pack_format = #tpu.pack_format<interleaved>, positions = array<i32: 0, 1>} : vector<16xf32>, vector<16xf32> -> vector<32xbf16>
        %parallel_loop3A_335 = arith.mulf %parallel_loop3A_334, %parallel_loop3A_333 : vector<32xbf16>
        %parallel_loop3A_336 = arith.addf %parallel_loop3A_329, %parallel_loop3A_335 : vector<32xbf16>
        %parallel_loop3A_337 = arith.constant 1120 : i32
        %parallel_loop3A_338 = tpu.memref_slice %arg6[%parallel_loop3A_337] : memref<71874xi32, #tpu.memory_space<vmem>> -> memref<70754xi32, #tpu.memory_space<vmem>>
        %parallel_loop3A_339 = tpu.vector_load_idx %parallel_loop3A_338[%parallel_loop3A_288] : memref<70754xi32, #tpu.memory_space<vmem>>[vector<16xi32>], vector<16xi32>,
        %parallel_loop3A_340 = vector.bitcast %parallel_loop3A_339 : vector<16xi32> to vector<32xbf16>
        %parallel_loop3A_341 = tpu.pack_subelements %parallel_loop3A_279, %parallel_loop3A_279 {pack_format = #tpu.pack_format<interleaved>, positions = array<i32: 0, 1>} : vector<16xf32>, vector<16xf32> -> vector<32xbf16>
        %parallel_loop3A_342 = arith.mulf %parallel_loop3A_341, %parallel_loop3A_340 : vector<32xbf16>
        %parallel_loop3A_343 = arith.addf %parallel_loop3A_336, %parallel_loop3A_342 : vector<32xbf16>
        %parallel_loop3A_344 = tpu.unpack_subelements %parallel_loop3A_343, 0 {pack_format = #tpu.pack_format<interleaved>} : vector<32xbf16> -> vector<16xf32>
        %parallel_loop3A_345 = tpu.unpack_subelements %parallel_loop3A_343, 1 {pack_format = #tpu.pack_format<interleaved>} : vector<32xbf16> -> vector<16xf32>
        %parallel_loop3A_346 = arith.index_cast %parallel_loop3A_229 : i32 to index
        %parallel_loop3A_347 = tpu.vector_load %arg13[%parallel_loop3A_346] {strides = array<i32>} : memref<2048xf32, #tpu.memory_space<vmem>>, vector<16xf32>,
        tpu.vector_store %arg13[%parallel_loop3A_346], %parallel_loop3A_344 {strides = array<i32>} : memref<2048xf32, #tpu.memory_space<vmem>>, vector<16xf32>,
        %parallel_loop3A_348 = arith.index_cast %parallel_loop3A_229 : i32 to index
        %parallel_loop3A_349 = tpu.vector_load %arg14[%parallel_loop3A_348] {strides = array<i32>} : memref<2048xf32, #tpu.memory_space<vmem>>, vector<16xf32>,
        tpu.vector_store %arg14[%parallel_loop3A_348], %parallel_loop3A_345 {strides = array<i32>} : memref<2048xf32, #tpu.memory_space<vmem>>, vector<16xf32>,
        %parallel_loop3A_350 = arith.constant 35936 : i32
        %parallel_loop3A_351 = tpu.memref_slice %arg6[%parallel_loop3A_350] : memref<71874xi32, #tpu.memory_space<vmem>> -> memref<35938xi32, #tpu.memory_space<vmem>>
        %parallel_loop3A_352 = tpu.vector_load_idx %parallel_loop3A_351[%parallel_loop3A_282] : memref<35938xi32, #tpu.memory_space<vmem>>[vector<16xi32>], vector<16xi32>,
        %parallel_loop3A_353 = vector.bitcast %parallel_loop3A_352 : vector<16xi32> to vector<32xbf16>
        %parallel_loop3A_354 = tpu.pack_subelements %parallel_loop3A_272, %parallel_loop3A_273 {pack_format = #tpu.pack_format<interleaved>, positions = array<i32: 0, 1>} : vector<16xf32>, vector<16xf32> -> vector<32xbf16>
        %parallel_loop3A_355 = arith.mulf %parallel_loop3A_354, %parallel_loop3A_353 : vector<32xbf16>
        %parallel_loop3A_356 = arith.constant 35968 : i32
        %parallel_loop3A_357 = tpu.memref_slice %arg6[%parallel_loop3A_356] : memref<71874xi32, #tpu.memory_space<vmem>> -> memref<35906xi32, #tpu.memory_space<vmem>>
        %parallel_loop3A_358 = tpu.vector_load_idx %parallel_loop3A_357[%parallel_loop3A_285] : memref<35906xi32, #tpu.memory_space<vmem>>[vector<16xi32>], vector<16xi32>,
        %parallel_loop3A_359 = vector.bitcast %parallel_loop3A_358 : vector<16xi32> to vector<32xbf16>
        %parallel_loop3A_360 = tpu.pack_subelements %parallel_loop3A_274, %parallel_loop3A_275 {pack_format = #tpu.pack_format<interleaved>, positions = array<i32: 0, 1>} : vector<16xf32>, vector<16xf32> -> vector<32xbf16>
        %parallel_loop3A_361 = arith.mulf %parallel_loop3A_360, %parallel_loop3A_359 : vector<32xbf16>
        %parallel_loop3A_362 = arith.addf %parallel_loop3A_355, %parallel_loop3A_361 : vector<32xbf16>
        %parallel_loop3A_363 = arith.constant 37024 : i32
        %parallel_loop3A_364 = tpu.memref_slice %arg6[%parallel_loop3A_363] : memref<71874xi32, #tpu.memory_space<vmem>> -> memref<34850xi32, #tpu.memory_space<vmem>>
        %parallel_loop3A_365 = tpu.vector_load_idx %parallel_loop3A_364[%parallel_loop3A_285] : memref<34850xi32, #tpu.memory_space<vmem>>[vector<16xi32>], vector<16xi32>,
        %parallel_loop3A_366 = vector.bitcast %parallel_loop3A_365 : vector<16xi32> to vector<32xbf16>
        %parallel_loop3A_367 = tpu.pack_subelements %parallel_loop3A_276, %parallel_loop3A_277 {pack_format = #tpu.pack_format<interleaved>, positions = array<i32: 0, 1>} : vector<16xf32>, vector<16xf32> -> vector<32xbf16>
        %parallel_loop3A_368 = arith.mulf %parallel_loop3A_367, %parallel_loop3A_366 : vector<32xbf16>
        %parallel_loop3A_369 = arith.addf %parallel_loop3A_362, %parallel_loop3A_368 : vector<32xbf16>
        %parallel_loop3A_370 = arith.constant 37056 : i32
        %parallel_loop3A_371 = tpu.memref_slice %arg6[%parallel_loop3A_370] : memref<71874xi32, #tpu.memory_space<vmem>> -> memref<34818xi32, #tpu.memory_space<vmem>>
        %parallel_loop3A_372 = tpu.vector_load_idx %parallel_loop3A_371[%parallel_loop3A_288] : memref<34818xi32, #tpu.memory_space<vmem>>[vector<16xi32>], vector<16xi32>,
        %parallel_loop3A_373 = vector.bitcast %parallel_loop3A_372 : vector<16xi32> to vector<32xbf16>
        %parallel_loop3A_374 = tpu.pack_subelements %parallel_loop3A_278, %parallel_loop3A_279 {pack_format = #tpu.pack_format<interleaved>, positions = array<i32: 0, 1>} : vector<16xf32>, vector<16xf32> -> vector<32xbf16>
        %parallel_loop3A_375 = arith.mulf %parallel_loop3A_374, %parallel_loop3A_373 : vector<32xbf16>
        %parallel_loop3A_376 = arith.addf %parallel_loop3A_369, %parallel_loop3A_375 : vector<32xbf16>
        %parallel_loop3A_377 = tpu.unpack_subelements %parallel_loop3A_376, 0 {pack_format = #tpu.pack_format<interleaved>} : vector<32xbf16> -> vector<16xf32>
        %parallel_loop3A_378 = tpu.unpack_subelements %parallel_loop3A_376, 1 {pack_format = #tpu.pack_format<interleaved>} : vector<32xbf16> -> vector<16xf32>
        %parallel_loop3A_379 = arith.addf %parallel_loop3A_377, %parallel_loop3A_378 : vector<16xf32>
        %parallel_loop3A_380 = arith.index_cast %parallel_loop3A_229 : i32 to index
        %parallel_loop3A_381 = tpu.vector_load %arg15[%parallel_loop3A_380] {strides = array<i32>} : memref<2048xf32, #tpu.memory_space<vmem>>, vector<16xf32>,
        tpu.vector_store %arg15[%parallel_loop3A_380], %parallel_loop3A_379 {strides = array<i32>} : memref<2048xf32, #tpu.memory_space<vmem>>, vector<16xf32>,
      } {sc.loop_unroll_factor = 2 : i64, sc.parallel_access}
      %mul3A_144 = arith.constant 2048 : i32
      %mul3A_145 = arith.muli %add3A_121, %mul3A_144 : i32
      %add3A_146 = arith.addi %mul3A_33, %mul3A_145 : i32
      %add3A_147 = arith.constant 0 : i32
      %add3A_148 = arith.addi %mul3A_35, %add3A_147 : i32
      %dma_start3A_149 = tpu.memref_slice %arg5[%add3A_148, %add3A_146] : memref<24x262144xf32, #tpu.memory_space<hbm>> -> memref<1x2048xf32, #tpu.memory_space<hbm>>
      %dma_start3A_150 = tpu.memref_squeeze %dma_start3A_149 : memref<1x2048xf32, #tpu.memory_space<hbm>> -> memref<2048xf32, #tpu.memory_space<hbm>>
      %dma_start3A_151 = tpu.memref_slice %arg5[%add3A_148, %add3A_146] : memref<24x262144xf32, #tpu.memory_space<hbm>> -> memref<1x2048xf32, #tpu.memory_space<hbm>>
      %dma_start3A_152 = tpu.memref_squeeze %dma_start3A_151 : memref<1x2048xf32, #tpu.memory_space<hbm>> -> memref<2048xf32, #tpu.memory_space<hbm>>
      tpu.enqueue_dma source(%arg13 : memref<2048xf32, #tpu.memory_space<vmem>>) target(%dma_start3A_152 : memref<2048xf32, #tpu.memory_space<hbm>>) target_semaphore(%arg21 : memref<!tpu.dma_semaphore, #tpu.memory_space<semaphore_mem>>)
      %add3A_153 = arith.constant 1 : i32
      %add3A_154 = arith.addi %mul3A_35, %add3A_153 : i32
      %dma_start3A_155 = tpu.memref_slice %arg5[%add3A_154, %add3A_146] : memref<24x262144xf32, #tpu.memory_space<hbm>> -> memref<1x2048xf32, #tpu.memory_space<hbm>>
      %dma_start3A_156 = tpu.memref_squeeze %dma_start3A_155 : memref<1x2048xf32, #tpu.memory_space<hbm>> -> memref<2048xf32, #tpu.memory_space<hbm>>
      %dma_start3A_157 = tpu.memref_slice %arg5[%add3A_154, %add3A_146] : memref<24x262144xf32, #tpu.memory_space<hbm>> -> memref<1x2048xf32, #tpu.memory_space<hbm>>
      %dma_start3A_158 = tpu.memref_squeeze %dma_start3A_157 : memref<1x2048xf32, #tpu.memory_space<hbm>> -> memref<2048xf32, #tpu.memory_space<hbm>>
      tpu.enqueue_dma source(%arg14 : memref<2048xf32, #tpu.memory_space<vmem>>) target(%dma_start3A_158 : memref<2048xf32, #tpu.memory_space<hbm>>) target_semaphore(%arg21 : memref<!tpu.dma_semaphore, #tpu.memory_space<semaphore_mem>>)
      %add3A_159 = arith.constant 2 : i32
      %add3A_160 = arith.addi %mul3A_35, %add3A_159 : i32
      %dma_start3A_161 = tpu.memref_slice %arg5[%add3A_160, %add3A_146] : memref<24x262144xf32, #tpu.memory_space<hbm>> -> memref<1x2048xf32, #tpu.memory_space<hbm>>
      %dma_start3A_162 = tpu.memref_squeeze %dma_start3A_161 : memref<1x2048xf32, #tpu.memory_space<hbm>> -> memref<2048xf32, #tpu.memory_space<hbm>>
      %dma_start3A_163 = tpu.memref_slice %arg5[%add3A_160, %add3A_146] : memref<24x262144xf32, #tpu.memory_space<hbm>> -> memref<1x2048xf32, #tpu.memory_space<hbm>>
      %dma_start3A_164 = tpu.memref_squeeze %dma_start3A_163 : memref<1x2048xf32, #tpu.memory_space<hbm>> -> memref<2048xf32, #tpu.memory_space<hbm>>
      tpu.enqueue_dma source(%arg15 : memref<2048xf32, #tpu.memory_space<vmem>>) target(%dma_start3A_164 : memref<2048xf32, #tpu.memory_space<hbm>>) target_semaphore(%arg21 : memref<!tpu.dma_semaphore, #tpu.memory_space<semaphore_mem>>)
      %add3A_165 = arith.constant 2 : i32
      %add3A_166 = arith.addi %add3A_121, %add3A_165 : i32
      %lt3A_167 = arith.constant 32 : i32
      %lt3A_168 = arith.cmpi slt, %add3A_166, %lt3A_167 : i32
      %convert_element_type3A_169 = arith.extui %lt3A_168 : i1 to i32
      %cond3A_170 = arith.constant 0 : i32
      %cond3A_171 = arith.cmpi ne, %convert_element_type3A_169, %cond3A_170 : i32
      scf.if %cond3A_171 {
        %add3A_229 = arith.constant 2 : i32
        %add3A_230 = arith.addi %add3A_121, %add3A_229 : i32
        %mul3A_231 = arith.constant 2048 : i32
        %mul3A_232 = arith.muli %add3A_230, %mul3A_231 : i32
        %add3A_233 = arith.addi %mul3A_33, %mul3A_232 : i32
        %add3A_234 = arith.constant 0 : i32
        %add3A_235 = arith.addi %mul3A_35, %add3A_234 : i32
        %dma_start3A_236 = tpu.memref_slice %arg3[%add3A_235, %add3A_233] : memref<24x262144xf32, #tpu.memory_space<hbm>> -> memref<1x2048xf32, #tpu.memory_space<hbm>>
        %dma_start3A_237 = tpu.memref_squeeze %dma_start3A_236 : memref<1x2048xf32, #tpu.memory_space<hbm>> -> memref<2048xf32, #tpu.memory_space<hbm>>
        %dma_start3A_238 = tpu.memref_slice %arg3[%add3A_235, %add3A_233] : memref<24x262144xf32, #tpu.memory_space<hbm>> -> memref<1x2048xf32, #tpu.memory_space<hbm>>
        %dma_start3A_239 = tpu.memref_squeeze %dma_start3A_238 : memref<1x2048xf32, #tpu.memory_space<hbm>> -> memref<2048xf32, #tpu.memory_space<hbm>>
        tpu.enqueue_dma source(%dma_start3A_239 : memref<2048xf32, #tpu.memory_space<hbm>>) target(%arg7 : memref<2048xf32, #tpu.memory_space<vmem>>) target_semaphore(%arg19 : memref<!tpu.dma_semaphore, #tpu.memory_space<semaphore_mem>>)
        %add3A_240 = arith.constant 1 : i32
        %add3A_241 = arith.addi %mul3A_35, %add3A_240 : i32
        %dma_start3A_242 = tpu.memref_slice %arg3[%add3A_241, %add3A_233] : memref<24x262144xf32, #tpu.memory_space<hbm>> -> memref<1x2048xf32, #tpu.memory_space<hbm>>
        %dma_start3A_243 = tpu.memref_squeeze %dma_start3A_242 : memref<1x2048xf32, #tpu.memory_space<hbm>> -> memref<2048xf32, #tpu.memory_space<hbm>>
        %dma_start3A_244 = tpu.memref_slice %arg3[%add3A_241, %add3A_233] : memref<24x262144xf32, #tpu.memory_space<hbm>> -> memref<1x2048xf32, #tpu.memory_space<hbm>>
        %dma_start3A_245 = tpu.memref_squeeze %dma_start3A_244 : memref<1x2048xf32, #tpu.memory_space<hbm>> -> memref<2048xf32, #tpu.memory_space<hbm>>
        tpu.enqueue_dma source(%dma_start3A_245 : memref<2048xf32, #tpu.memory_space<hbm>>) target(%arg8 : memref<2048xf32, #tpu.memory_space<vmem>>) target_semaphore(%arg19 : memref<!tpu.dma_semaphore, #tpu.memory_space<semaphore_mem>>)
        %add3A_246 = arith.constant 2 : i32
        %add3A_247 = arith.addi %mul3A_35, %add3A_246 : i32
        %dma_start3A_248 = tpu.memref_slice %arg3[%add3A_247, %add3A_233] : memref<24x262144xf32, #tpu.memory_space<hbm>> -> memref<1x2048xf32, #tpu.memory_space<hbm>>
        %dma_start3A_249 = tpu.memref_squeeze %dma_start3A_248 : memref<1x2048xf32, #tpu.memory_space<hbm>> -> memref<2048xf32, #tpu.memory_space<hbm>>
        %dma_start3A_250 = tpu.memref_slice %arg3[%add3A_247, %add3A_233] : memref<24x262144xf32, #tpu.memory_space<hbm>> -> memref<1x2048xf32, #tpu.memory_space<hbm>>
        %dma_start3A_251 = tpu.memref_squeeze %dma_start3A_250 : memref<1x2048xf32, #tpu.memory_space<hbm>> -> memref<2048xf32, #tpu.memory_space<hbm>>
        tpu.enqueue_dma source(%dma_start3A_251 : memref<2048xf32, #tpu.memory_space<hbm>>) target(%arg9 : memref<2048xf32, #tpu.memory_space<vmem>>) target_semaphore(%arg19 : memref<!tpu.dma_semaphore, #tpu.memory_space<semaphore_mem>>)
      } else {
      }
      %add3A_172 = arith.constant 1 : i32
      %add3A_173 = arith.addi %mul3A_119, %add3A_172 : i32
      %dma_wait3A_174 = arith.constant 0 : i32
      %dma_wait3A_175 = tpu.memref_slice %arg3[%mul3A_35, %dma_wait3A_174] : memref<24x262144xf32, #tpu.memory_space<hbm>> -> memref<1x2048xf32, #tpu.memory_space<hbm>>
      %dma_wait3A_176 = tpu.memref_squeeze %dma_wait3A_175 : memref<1x2048xf32, #tpu.memory_space<hbm>> -> memref<2048xf32, #tpu.memory_space<hbm>>
      %dma_wait3A_177 = arith.constant 0 : i32
      %dma_wait3A_178 = tpu.memref_slice %arg3[%mul3A_35, %dma_wait3A_177] : memref<24x262144xf32, #tpu.memory_space<hbm>> -> memref<1x2048xf32, #tpu.memory_space<hbm>>
      %dma_wait3A_179 = tpu.memref_squeeze %dma_wait3A_178 : memref<1x2048xf32, #tpu.memory_space<hbm>> -> memref<2048xf32, #tpu.memory_space<hbm>>
      tpu.wait_dma2 semaphore(%arg20 : memref<!tpu.dma_semaphore, #tpu.memory_space<semaphore_mem>>) src(%dma_wait3A_179 : memref<2048xf32, #tpu.memory_space<hbm>>) dst(%arg10 : memref<2048xf32, #tpu.memory_space<vmem>>)
      %dma_wait3A_180 = arith.constant 0 : i32
      %dma_wait3A_181 = tpu.memref_slice %arg3[%mul3A_35, %dma_wait3A_180] : memref<24x262144xf32, #tpu.memory_space<hbm>> -> memref<1x2048xf32, #tpu.memory_space<hbm>>
      %dma_wait3A_182 = tpu.memref_squeeze %dma_wait3A_181 : memref<1x2048xf32, #tpu.memory_space<hbm>> -> memref<2048xf32, #tpu.memory_space<hbm>>
      %dma_wait3A_183 = arith.constant 0 : i32
      %dma_wait3A_184 = tpu.memref_slice %arg3[%mul3A_35, %dma_wait3A_183] : memref<24x262144xf32, #tpu.memory_space<hbm>> -> memref<1x2048xf32, #tpu.memory_space<hbm>>
      %dma_wait3A_185 = tpu.memref_squeeze %dma_wait3A_184 : memref<1x2048xf32, #tpu.memory_space<hbm>> -> memref<2048xf32, #tpu.memory_space<hbm>>
      tpu.wait_dma2 semaphore(%arg20 : memref<!tpu.dma_semaphore, #tpu.memory_space<semaphore_mem>>) src(%dma_wait3A_185 : memref<2048xf32, #tpu.memory_space<hbm>>) dst(%arg11 : memref<2048xf32, #tpu.memory_space<vmem>>)
      %dma_wait3A_186 = arith.constant 0 : i32
      %dma_wait3A_187 = tpu.memref_slice %arg3[%mul3A_35, %dma_wait3A_186] : memref<24x262144xf32, #tpu.memory_space<hbm>> -> memref<1x2048xf32, #tpu.memory_space<hbm>>
      %dma_wait3A_188 = tpu.memref_squeeze %dma_wait3A_187 : memref<1x2048xf32, #tpu.memory_space<hbm>> -> memref<2048xf32, #tpu.memory_space<hbm>>
      %dma_wait3A_189 = arith.constant 0 : i32
      %dma_wait3A_190 = tpu.memref_slice %arg3[%mul3A_35, %dma_wait3A_189] : memref<24x262144xf32, #tpu.memory_space<hbm>> -> memref<1x2048xf32, #tpu.memory_space<hbm>>
      %dma_wait3A_191 = tpu.memref_squeeze %dma_wait3A_190 : memref<1x2048xf32, #tpu.memory_space<hbm>> -> memref<2048xf32, #tpu.memory_space<hbm>>
      tpu.wait_dma2 semaphore(%arg20 : memref<!tpu.dma_semaphore, #tpu.memory_space<semaphore_mem>>) src(%dma_wait3A_191 : memref<2048xf32, #tpu.memory_space<hbm>>) dst(%arg12 : memref<2048xf32, #tpu.memory_space<vmem>>)
      %ge3A_192 = arith.constant 2 : i32
      %ge3A_193 = arith.cmpi sge, %add3A_173, %ge3A_192 : i32
      %convert_element_type3A_194 = arith.extui %ge3A_193 : i1 to i32
      %cond3A_195 = arith.constant 0 : i32
      %cond3A_196 = arith.cmpi ne, %convert_element_type3A_194, %cond3A_195 : i32
      scf.if %cond3A_196 {
        %dma_wait3A_229 = arith.constant 0 : i32
        %dma_wait3A_230 = tpu.memref_slice %arg3[%mul3A_35, %dma_wait3A_229] : memref<24x262144xf32, #tpu.memory_space<hbm>> -> memref<1x2048xf32, #tpu.memory_space<hbm>>
        %dma_wait3A_231 = tpu.memref_squeeze %dma_wait3A_230 : memref<1x2048xf32, #tpu.memory_space<hbm>> -> memref<2048xf32, #tpu.memory_space<hbm>>
        %dma_wait3A_232 = arith.constant 0 : i32
        %dma_wait3A_233 = tpu.memref_slice %arg3[%mul3A_35, %dma_wait3A_232] : memref<24x262144xf32, #tpu.memory_space<hbm>> -> memref<1x2048xf32, #tpu.memory_space<hbm>>
        %dma_wait3A_234 = tpu.memref_squeeze %dma_wait3A_233 : memref<1x2048xf32, #tpu.memory_space<hbm>> -> memref<2048xf32, #tpu.memory_space<hbm>>
        tpu.wait_dma2 semaphore(%arg22 : memref<!tpu.dma_semaphore, #tpu.memory_space<semaphore_mem>>) src(%dma_wait3A_234 : memref<2048xf32, #tpu.memory_space<hbm>>) dst(%arg16 : memref<2048xf32, #tpu.memory_space<vmem>>)
        %dma_wait3A_235 = arith.constant 0 : i32
        %dma_wait3A_236 = tpu.memref_slice %arg3[%mul3A_35, %dma_wait3A_235] : memref<24x262144xf32, #tpu.memory_space<hbm>> -> memref<1x2048xf32, #tpu.memory_space<hbm>>
        %dma_wait3A_237 = tpu.memref_squeeze %dma_wait3A_236 : memref<1x2048xf32, #tpu.memory_space<hbm>> -> memref<2048xf32, #tpu.memory_space<hbm>>
        %dma_wait3A_238 = arith.constant 0 : i32
        %dma_wait3A_239 = tpu.memref_slice %arg3[%mul3A_35, %dma_wait3A_238] : memref<24x262144xf32, #tpu.memory_space<hbm>> -> memref<1x2048xf32, #tpu.memory_space<hbm>>
        %dma_wait3A_240 = tpu.memref_squeeze %dma_wait3A_239 : memref<1x2048xf32, #tpu.memory_space<hbm>> -> memref<2048xf32, #tpu.memory_space<hbm>>
        tpu.wait_dma2 semaphore(%arg22 : memref<!tpu.dma_semaphore, #tpu.memory_space<semaphore_mem>>) src(%dma_wait3A_240 : memref<2048xf32, #tpu.memory_space<hbm>>) dst(%arg17 : memref<2048xf32, #tpu.memory_space<vmem>>)
        %dma_wait3A_241 = arith.constant 0 : i32
        %dma_wait3A_242 = tpu.memref_slice %arg3[%mul3A_35, %dma_wait3A_241] : memref<24x262144xf32, #tpu.memory_space<hbm>> -> memref<1x2048xf32, #tpu.memory_space<hbm>>
        %dma_wait3A_243 = tpu.memref_squeeze %dma_wait3A_242 : memref<1x2048xf32, #tpu.memory_space<hbm>> -> memref<2048xf32, #tpu.memory_space<hbm>>
        %dma_wait3A_244 = arith.constant 0 : i32
        %dma_wait3A_245 = tpu.memref_slice %arg3[%mul3A_35, %dma_wait3A_244] : memref<24x262144xf32, #tpu.memory_space<hbm>> -> memref<1x2048xf32, #tpu.memory_space<hbm>>
        %dma_wait3A_246 = tpu.memref_squeeze %dma_wait3A_245 : memref<1x2048xf32, #tpu.memory_space<hbm>> -> memref<2048xf32, #tpu.memory_space<hbm>>
        tpu.wait_dma2 semaphore(%arg22 : memref<!tpu.dma_semaphore, #tpu.memory_space<semaphore_mem>>) src(%dma_wait3A_246 : memref<2048xf32, #tpu.memory_space<hbm>>) dst(%arg18 : memref<2048xf32, #tpu.memory_space<vmem>>)
      } else {
      }
      %parallel_loop3A_197 = arith.constant 0 : i32
      %parallel_loop3A_198 = arith.constant 2048 : i32
      %parallel_loop3A_199 = arith.constant 16 : i32
      scf.for %parallel_loop3A_229 = %parallel_loop3A_197 to %parallel_loop3A_198 step %parallel_loop3A_199  : i32 {
        %parallel_loop3A_230 = arith.index_cast %parallel_loop3A_229 : i32 to index
        %parallel_loop3A_231 = tpu.vector_load %arg10[%parallel_loop3A_230] {strides = array<i32>} : memref<2048xf32, #tpu.memory_space<vmem>>, vector<16xf32>,
        %parallel_loop3A_232 = arith.index_cast %parallel_loop3A_229 : i32 to index
        %parallel_loop3A_233 = tpu.vector_load %arg11[%parallel_loop3A_232] {strides = array<i32>} : memref<2048xf32, #tpu.memory_space<vmem>>, vector<16xf32>,
        %parallel_loop3A_234 = arith.index_cast %parallel_loop3A_229 : i32 to index
        %parallel_loop3A_235 = tpu.vector_load %arg12[%parallel_loop3A_234] {strides = array<i32>} : memref<2048xf32, #tpu.memory_space<vmem>>, vector<16xf32>,
        %parallel_loop3A_236 = vector.broadcast %squeeze3A : f32 to vector<16xf32>
        %parallel_loop3A_237 = arith.mulf %parallel_loop3A_231, %parallel_loop3A_236 : vector<16xf32>
        %parallel_loop3A_238 = vector.broadcast %squeeze3A : f32 to vector<16xf32>
        %parallel_loop3A_239 = arith.mulf %parallel_loop3A_233, %parallel_loop3A_238 : vector<16xf32>
        %parallel_loop3A_240 = vector.broadcast %squeeze3A : f32 to vector<16xf32>
        %parallel_loop3A_241 = arith.mulf %parallel_loop3A_235, %parallel_loop3A_240 : vector<16xf32>
        %parallel_loop3A_242 = arith.fptosi %parallel_loop3A_237 : vector<16xf32> to vector<16xi32>
        %parallel_loop3A_243 = arith.fptosi %parallel_loop3A_239 : vector<16xf32> to vector<16xi32>
        %parallel_loop3A_244 = arith.fptosi %parallel_loop3A_241 : vector<16xf32> to vector<16xi32>
        %parallel_loop3A_245 = arith.sitofp %parallel_loop3A_242 : vector<16xi32> to vector<16xf32>
        %parallel_loop3A_246 = arith.subf %parallel_loop3A_237, %parallel_loop3A_245 : vector<16xf32>
        %parallel_loop3A_247 = arith.sitofp %parallel_loop3A_243 : vector<16xi32> to vector<16xf32>
        %parallel_loop3A_248 = arith.subf %parallel_loop3A_239, %parallel_loop3A_247 : vector<16xf32>
        %parallel_loop3A_249 = arith.sitofp %parallel_loop3A_244 : vector<16xi32> to vector<16xf32>
        %parallel_loop3A_250 = arith.subf %parallel_loop3A_241, %parallel_loop3A_249 : vector<16xf32>
        %parallel_loop3A_251 = arith.constant 33 : i32
        %parallel_loop3A_252 = vector.broadcast %parallel_loop3A_251 : i32 to vector<16xi32>
        %parallel_loop3A_253 = arith.muli %parallel_loop3A_243, %parallel_loop3A_252 : vector<16xi32>
        %parallel_loop3A_254 = arith.addi %parallel_loop3A_242, %parallel_loop3A_253 : vector<16xi32>
        %parallel_loop3A_255 = arith.constant 1089 : i32
        %parallel_loop3A_256 = vector.broadcast %parallel_loop3A_255 : i32 to vector<16xi32>
        %parallel_loop3A_257 = arith.muli %parallel_loop3A_244, %parallel_loop3A_256 : vector<16xi32>
        %parallel_loop3A_258 = arith.addi %parallel_loop3A_254, %parallel_loop3A_257 : vector<16xi32>
        %parallel_loop3A_259 = arith.constant 1.000000e+00 : f32
        %parallel_loop3A_260 = vector.broadcast %parallel_loop3A_259 : f32 to vector<16xf32>
        %parallel_loop3A_261 = arith.subf %parallel_loop3A_260, %parallel_loop3A_246 : vector<16xf32>
        %parallel_loop3A_262 = arith.constant 1.000000e+00 : f32
        %parallel_loop3A_263 = vector.broadcast %parallel_loop3A_262 : f32 to vector<16xf32>
        %parallel_loop3A_264 = arith.subf %parallel_loop3A_263, %parallel_loop3A_248 : vector<16xf32>
        %parallel_loop3A_265 = arith.constant 1.000000e+00 : f32
        %parallel_loop3A_266 = vector.broadcast %parallel_loop3A_265 : f32 to vector<16xf32>
        %parallel_loop3A_267 = arith.subf %parallel_loop3A_266, %parallel_loop3A_250 : vector<16xf32>
        %parallel_loop3A_268 = arith.mulf %parallel_loop3A_264, %parallel_loop3A_267 : vector<16xf32>
        %parallel_loop3A_269 = arith.mulf %parallel_loop3A_248, %parallel_loop3A_267 : vector<16xf32>
        %parallel_loop3A_270 = arith.mulf %parallel_loop3A_264, %parallel_loop3A_250 : vector<16xf32>
        %parallel_loop3A_271 = arith.mulf %parallel_loop3A_248, %parallel_loop3A_250 : vector<16xf32>
        %parallel_loop3A_272 = arith.mulf %parallel_loop3A_261, %parallel_loop3A_268 : vector<16xf32>
        %parallel_loop3A_273 = arith.mulf %parallel_loop3A_246, %parallel_loop3A_268 : vector<16xf32>
        %parallel_loop3A_274 = arith.mulf %parallel_loop3A_261, %parallel_loop3A_269 : vector<16xf32>
        %parallel_loop3A_275 = arith.mulf %parallel_loop3A_246, %parallel_loop3A_269 : vector<16xf32>
        %parallel_loop3A_276 = arith.mulf %parallel_loop3A_261, %parallel_loop3A_270 : vector<16xf32>
        %parallel_loop3A_277 = arith.mulf %parallel_loop3A_246, %parallel_loop3A_270 : vector<16xf32>
        %parallel_loop3A_278 = arith.mulf %parallel_loop3A_261, %parallel_loop3A_271 : vector<16xf32>
        %parallel_loop3A_279 = arith.mulf %parallel_loop3A_246, %parallel_loop3A_271 : vector<16xf32>
        %parallel_loop3A_280 = arith.constant 1 : i32
        %parallel_loop3A_281 = vector.broadcast %parallel_loop3A_280 : i32 to vector<16xi32>
        %parallel_loop3A_282 = arith.addi %parallel_loop3A_258, %parallel_loop3A_281 : vector<16xi32>
        %parallel_loop3A_283 = arith.constant 1 : i32
        %parallel_loop3A_284 = vector.broadcast %parallel_loop3A_283 : i32 to vector<16xi32>
        %parallel_loop3A_285 = arith.addi %parallel_loop3A_282, %parallel_loop3A_284 : vector<16xi32>
        %parallel_loop3A_286 = arith.constant 1 : i32
        %parallel_loop3A_287 = vector.broadcast %parallel_loop3A_286 : i32 to vector<16xi32>
        %parallel_loop3A_288 = arith.addi %parallel_loop3A_285, %parallel_loop3A_287 : vector<16xi32>
        %parallel_loop3A_289 = arith.constant 0 : i32
        %parallel_loop3A_290 = tpu.memref_slice %arg6[%parallel_loop3A_289] : memref<71874xi32, #tpu.memory_space<vmem>> -> memref<71874xi32, #tpu.memory_space<vmem>>
        %parallel_loop3A_291 = tpu.vector_load_idx %parallel_loop3A_290[%parallel_loop3A_258] : memref<71874xi32, #tpu.memory_space<vmem>>[vector<16xi32>], vector<16xi32>,
        %parallel_loop3A_292 = vector.bitcast %parallel_loop3A_291 : vector<16xi32> to vector<32xbf16>
        %parallel_loop3A_293 = tpu.pack_subelements %parallel_loop3A_272, %parallel_loop3A_272 {pack_format = #tpu.pack_format<interleaved>, positions = array<i32: 0, 1>} : vector<16xf32>, vector<16xf32> -> vector<32xbf16>
        %parallel_loop3A_294 = arith.mulf %parallel_loop3A_293, %parallel_loop3A_292 : vector<32xbf16>
        %parallel_loop3A_295 = arith.constant 0 : i32
        %parallel_loop3A_296 = tpu.memref_slice %arg6[%parallel_loop3A_295] : memref<71874xi32, #tpu.memory_space<vmem>> -> memref<71874xi32, #tpu.memory_space<vmem>>
        %parallel_loop3A_297 = tpu.vector_load_idx %parallel_loop3A_296[%parallel_loop3A_282] : memref<71874xi32, #tpu.memory_space<vmem>>[vector<16xi32>], vector<16xi32>,
        %parallel_loop3A_298 = vector.bitcast %parallel_loop3A_297 : vector<16xi32> to vector<32xbf16>
        %parallel_loop3A_299 = tpu.pack_subelements %parallel_loop3A_273, %parallel_loop3A_273 {pack_format = #tpu.pack_format<interleaved>, positions = array<i32: 0, 1>} : vector<16xf32>, vector<16xf32> -> vector<32xbf16>
        %parallel_loop3A_300 = arith.mulf %parallel_loop3A_299, %parallel_loop3A_298 : vector<32xbf16>
        %parallel_loop3A_301 = arith.addf %parallel_loop3A_294, %parallel_loop3A_300 : vector<32xbf16>
        %parallel_loop3A_302 = arith.constant 32 : i32
        %parallel_loop3A_303 = tpu.memref_slice %arg6[%parallel_loop3A_302] : memref<71874xi32, #tpu.memory_space<vmem>> -> memref<71842xi32, #tpu.memory_space<vmem>>
        %parallel_loop3A_304 = tpu.vector_load_idx %parallel_loop3A_303[%parallel_loop3A_282] : memref<71842xi32, #tpu.memory_space<vmem>>[vector<16xi32>], vector<16xi32>,
        %parallel_loop3A_305 = vector.bitcast %parallel_loop3A_304 : vector<16xi32> to vector<32xbf16>
        %parallel_loop3A_306 = tpu.pack_subelements %parallel_loop3A_274, %parallel_loop3A_274 {pack_format = #tpu.pack_format<interleaved>, positions = array<i32: 0, 1>} : vector<16xf32>, vector<16xf32> -> vector<32xbf16>
        %parallel_loop3A_307 = arith.mulf %parallel_loop3A_306, %parallel_loop3A_305 : vector<32xbf16>
        %parallel_loop3A_308 = arith.addf %parallel_loop3A_301, %parallel_loop3A_307 : vector<32xbf16>
        %parallel_loop3A_309 = arith.constant 32 : i32
        %parallel_loop3A_310 = tpu.memref_slice %arg6[%parallel_loop3A_309] : memref<71874xi32, #tpu.memory_space<vmem>> -> memref<71842xi32, #tpu.memory_space<vmem>>
        %parallel_loop3A_311 = tpu.vector_load_idx %parallel_loop3A_310[%parallel_loop3A_285] : memref<71842xi32, #tpu.memory_space<vmem>>[vector<16xi32>], vector<16xi32>,
        %parallel_loop3A_312 = vector.bitcast %parallel_loop3A_311 : vector<16xi32> to vector<32xbf16>
        %parallel_loop3A_313 = tpu.pack_subelements %parallel_loop3A_275, %parallel_loop3A_275 {pack_format = #tpu.pack_format<interleaved>, positions = array<i32: 0, 1>} : vector<16xf32>, vector<16xf32> -> vector<32xbf16>
        %parallel_loop3A_314 = arith.mulf %parallel_loop3A_313, %parallel_loop3A_312 : vector<32xbf16>
        %parallel_loop3A_315 = arith.addf %parallel_loop3A_308, %parallel_loop3A_314 : vector<32xbf16>
        %parallel_loop3A_316 = arith.constant 1088 : i32
        %parallel_loop3A_317 = tpu.memref_slice %arg6[%parallel_loop3A_316] : memref<71874xi32, #tpu.memory_space<vmem>> -> memref<70786xi32, #tpu.memory_space<vmem>>
        %parallel_loop3A_318 = tpu.vector_load_idx %parallel_loop3A_317[%parallel_loop3A_282] : memref<70786xi32, #tpu.memory_space<vmem>>[vector<16xi32>], vector<16xi32>,
        %parallel_loop3A_319 = vector.bitcast %parallel_loop3A_318 : vector<16xi32> to vector<32xbf16>
        %parallel_loop3A_320 = tpu.pack_subelements %parallel_loop3A_276, %parallel_loop3A_276 {pack_format = #tpu.pack_format<interleaved>, positions = array<i32: 0, 1>} : vector<16xf32>, vector<16xf32> -> vector<32xbf16>
        %parallel_loop3A_321 = arith.mulf %parallel_loop3A_320, %parallel_loop3A_319 : vector<32xbf16>
        %parallel_loop3A_322 = arith.addf %parallel_loop3A_315, %parallel_loop3A_321 : vector<32xbf16>
        %parallel_loop3A_323 = arith.constant 1088 : i32
        %parallel_loop3A_324 = tpu.memref_slice %arg6[%parallel_loop3A_323] : memref<71874xi32, #tpu.memory_space<vmem>> -> memref<70786xi32, #tpu.memory_space<vmem>>
        %parallel_loop3A_325 = tpu.vector_load_idx %parallel_loop3A_324[%parallel_loop3A_285] : memref<70786xi32, #tpu.memory_space<vmem>>[vector<16xi32>], vector<16xi32>,
        %parallel_loop3A_326 = vector.bitcast %parallel_loop3A_325 : vector<16xi32> to vector<32xbf16>
        %parallel_loop3A_327 = tpu.pack_subelements %parallel_loop3A_277, %parallel_loop3A_277 {pack_format = #tpu.pack_format<interleaved>, positions = array<i32: 0, 1>} : vector<16xf32>, vector<16xf32> -> vector<32xbf16>
        %parallel_loop3A_328 = arith.mulf %parallel_loop3A_327, %parallel_loop3A_326 : vector<32xbf16>
        %parallel_loop3A_329 = arith.addf %parallel_loop3A_322, %parallel_loop3A_328 : vector<32xbf16>
        %parallel_loop3A_330 = arith.constant 1120 : i32
        %parallel_loop3A_331 = tpu.memref_slice %arg6[%parallel_loop3A_330] : memref<71874xi32, #tpu.memory_space<vmem>> -> memref<70754xi32, #tpu.memory_space<vmem>>
        %parallel_loop3A_332 = tpu.vector_load_idx %parallel_loop3A_331[%parallel_loop3A_285] : memref<70754xi32, #tpu.memory_space<vmem>>[vector<16xi32>], vector<16xi32>,
        %parallel_loop3A_333 = vector.bitcast %parallel_loop3A_332 : vector<16xi32> to vector<32xbf16>
        %parallel_loop3A_334 = tpu.pack_subelements %parallel_loop3A_278, %parallel_loop3A_278 {pack_format = #tpu.pack_format<interleaved>, positions = array<i32: 0, 1>} : vector<16xf32>, vector<16xf32> -> vector<32xbf16>
        %parallel_loop3A_335 = arith.mulf %parallel_loop3A_334, %parallel_loop3A_333 : vector<32xbf16>
        %parallel_loop3A_336 = arith.addf %parallel_loop3A_329, %parallel_loop3A_335 : vector<32xbf16>
        %parallel_loop3A_337 = arith.constant 1120 : i32
        %parallel_loop3A_338 = tpu.memref_slice %arg6[%parallel_loop3A_337] : memref<71874xi32, #tpu.memory_space<vmem>> -> memref<70754xi32, #tpu.memory_space<vmem>>
        %parallel_loop3A_339 = tpu.vector_load_idx %parallel_loop3A_338[%parallel_loop3A_288] : memref<70754xi32, #tpu.memory_space<vmem>>[vector<16xi32>], vector<16xi32>,
        %parallel_loop3A_340 = vector.bitcast %parallel_loop3A_339 : vector<16xi32> to vector<32xbf16>
        %parallel_loop3A_341 = tpu.pack_subelements %parallel_loop3A_279, %parallel_loop3A_279 {pack_format = #tpu.pack_format<interleaved>, positions = array<i32: 0, 1>} : vector<16xf32>, vector<16xf32> -> vector<32xbf16>
        %parallel_loop3A_342 = arith.mulf %parallel_loop3A_341, %parallel_loop3A_340 : vector<32xbf16>
        %parallel_loop3A_343 = arith.addf %parallel_loop3A_336, %parallel_loop3A_342 : vector<32xbf16>
        %parallel_loop3A_344 = tpu.unpack_subelements %parallel_loop3A_343, 0 {pack_format = #tpu.pack_format<interleaved>} : vector<32xbf16> -> vector<16xf32>
        %parallel_loop3A_345 = tpu.unpack_subelements %parallel_loop3A_343, 1 {pack_format = #tpu.pack_format<interleaved>} : vector<32xbf16> -> vector<16xf32>
        %parallel_loop3A_346 = arith.index_cast %parallel_loop3A_229 : i32 to index
        %parallel_loop3A_347 = tpu.vector_load %arg16[%parallel_loop3A_346] {strides = array<i32>} : memref<2048xf32, #tpu.memory_space<vmem>>, vector<16xf32>,
        tpu.vector_store %arg16[%parallel_loop3A_346], %parallel_loop3A_344 {strides = array<i32>} : memref<2048xf32, #tpu.memory_space<vmem>>, vector<16xf32>,
        %parallel_loop3A_348 = arith.index_cast %parallel_loop3A_229 : i32 to index
        %parallel_loop3A_349 = tpu.vector_load %arg17[%parallel_loop3A_348] {strides = array<i32>} : memref<2048xf32, #tpu.memory_space<vmem>>, vector<16xf32>,
        tpu.vector_store %arg17[%parallel_loop3A_348], %parallel_loop3A_345 {strides = array<i32>} : memref<2048xf32, #tpu.memory_space<vmem>>, vector<16xf32>,
        %parallel_loop3A_350 = arith.constant 35936 : i32
        %parallel_loop3A_351 = tpu.memref_slice %arg6[%parallel_loop3A_350] : memref<71874xi32, #tpu.memory_space<vmem>> -> memref<35938xi32, #tpu.memory_space<vmem>>
        %parallel_loop3A_352 = tpu.vector_load_idx %parallel_loop3A_351[%parallel_loop3A_282] : memref<35938xi32, #tpu.memory_space<vmem>>[vector<16xi32>], vector<16xi32>,
        %parallel_loop3A_353 = vector.bitcast %parallel_loop3A_352 : vector<16xi32> to vector<32xbf16>
        %parallel_loop3A_354 = tpu.pack_subelements %parallel_loop3A_272, %parallel_loop3A_273 {pack_format = #tpu.pack_format<interleaved>, positions = array<i32: 0, 1>} : vector<16xf32>, vector<16xf32> -> vector<32xbf16>
        %parallel_loop3A_355 = arith.mulf %parallel_loop3A_354, %parallel_loop3A_353 : vector<32xbf16>
        %parallel_loop3A_356 = arith.constant 35968 : i32
        %parallel_loop3A_357 = tpu.memref_slice %arg6[%parallel_loop3A_356] : memref<71874xi32, #tpu.memory_space<vmem>> -> memref<35906xi32, #tpu.memory_space<vmem>>
        %parallel_loop3A_358 = tpu.vector_load_idx %parallel_loop3A_357[%parallel_loop3A_285] : memref<35906xi32, #tpu.memory_space<vmem>>[vector<16xi32>], vector<16xi32>,
        %parallel_loop3A_359 = vector.bitcast %parallel_loop3A_358 : vector<16xi32> to vector<32xbf16>
        %parallel_loop3A_360 = tpu.pack_subelements %parallel_loop3A_274, %parallel_loop3A_275 {pack_format = #tpu.pack_format<interleaved>, positions = array<i32: 0, 1>} : vector<16xf32>, vector<16xf32> -> vector<32xbf16>
        %parallel_loop3A_361 = arith.mulf %parallel_loop3A_360, %parallel_loop3A_359 : vector<32xbf16>
        %parallel_loop3A_362 = arith.addf %parallel_loop3A_355, %parallel_loop3A_361 : vector<32xbf16>
        %parallel_loop3A_363 = arith.constant 37024 : i32
        %parallel_loop3A_364 = tpu.memref_slice %arg6[%parallel_loop3A_363] : memref<71874xi32, #tpu.memory_space<vmem>> -> memref<34850xi32, #tpu.memory_space<vmem>>
        %parallel_loop3A_365 = tpu.vector_load_idx %parallel_loop3A_364[%parallel_loop3A_285] : memref<34850xi32, #tpu.memory_space<vmem>>[vector<16xi32>], vector<16xi32>,
        %parallel_loop3A_366 = vector.bitcast %parallel_loop3A_365 : vector<16xi32> to vector<32xbf16>
        %parallel_loop3A_367 = tpu.pack_subelements %parallel_loop3A_276, %parallel_loop3A_277 {pack_format = #tpu.pack_format<interleaved>, positions = array<i32: 0, 1>} : vector<16xf32>, vector<16xf32> -> vector<32xbf16>
        %parallel_loop3A_368 = arith.mulf %parallel_loop3A_367, %parallel_loop3A_366 : vector<32xbf16>
        %parallel_loop3A_369 = arith.addf %parallel_loop3A_362, %parallel_loop3A_368 : vector<32xbf16>
        %parallel_loop3A_370 = arith.constant 37056 : i32
        %parallel_loop3A_371 = tpu.memref_slice %arg6[%parallel_loop3A_370] : memref<71874xi32, #tpu.memory_space<vmem>> -> memref<34818xi32, #tpu.memory_space<vmem>>
        %parallel_loop3A_372 = tpu.vector_load_idx %parallel_loop3A_371[%parallel_loop3A_288] : memref<34818xi32, #tpu.memory_space<vmem>>[vector<16xi32>], vector<16xi32>,
        %parallel_loop3A_373 = vector.bitcast %parallel_loop3A_372 : vector<16xi32> to vector<32xbf16>
        %parallel_loop3A_374 = tpu.pack_subelements %parallel_loop3A_278, %parallel_loop3A_279 {pack_format = #tpu.pack_format<interleaved>, positions = array<i32: 0, 1>} : vector<16xf32>, vector<16xf32> -> vector<32xbf16>
        %parallel_loop3A_375 = arith.mulf %parallel_loop3A_374, %parallel_loop3A_373 : vector<32xbf16>
        %parallel_loop3A_376 = arith.addf %parallel_loop3A_369, %parallel_loop3A_375 : vector<32xbf16>
        %parallel_loop3A_377 = tpu.unpack_subelements %parallel_loop3A_376, 0 {pack_format = #tpu.pack_format<interleaved>} : vector<32xbf16> -> vector<16xf32>
        %parallel_loop3A_378 = tpu.unpack_subelements %parallel_loop3A_376, 1 {pack_format = #tpu.pack_format<interleaved>} : vector<32xbf16> -> vector<16xf32>
        %parallel_loop3A_379 = arith.addf %parallel_loop3A_377, %parallel_loop3A_378 : vector<16xf32>
        %parallel_loop3A_380 = arith.index_cast %parallel_loop3A_229 : i32 to index
        %parallel_loop3A_381 = tpu.vector_load %arg18[%parallel_loop3A_380] {strides = array<i32>} : memref<2048xf32, #tpu.memory_space<vmem>>, vector<16xf32>,
        tpu.vector_store %arg18[%parallel_loop3A_380], %parallel_loop3A_379 {strides = array<i32>} : memref<2048xf32, #tpu.memory_space<vmem>>, vector<16xf32>,
      } {sc.loop_unroll_factor = 2 : i64, sc.parallel_access}
      %mul3A_200 = arith.constant 2048 : i32
      %mul3A_201 = arith.muli %add3A_173, %mul3A_200 : i32
      %add3A_202 = arith.addi %mul3A_33, %mul3A_201 : i32
      %add3A_203 = arith.constant 0 : i32
      %add3A_204 = arith.addi %mul3A_35, %add3A_203 : i32
      %dma_start3A_205 = tpu.memref_slice %arg5[%add3A_204, %add3A_202] : memref<24x262144xf32, #tpu.memory_space<hbm>> -> memref<1x2048xf32, #tpu.memory_space<hbm>>
      %dma_start3A_206 = tpu.memref_squeeze %dma_start3A_205 : memref<1x2048xf32, #tpu.memory_space<hbm>> -> memref<2048xf32, #tpu.memory_space<hbm>>
      %dma_start3A_207 = tpu.memref_slice %arg5[%add3A_204, %add3A_202] : memref<24x262144xf32, #tpu.memory_space<hbm>> -> memref<1x2048xf32, #tpu.memory_space<hbm>>
      %dma_start3A_208 = tpu.memref_squeeze %dma_start3A_207 : memref<1x2048xf32, #tpu.memory_space<hbm>> -> memref<2048xf32, #tpu.memory_space<hbm>>
      tpu.enqueue_dma source(%arg16 : memref<2048xf32, #tpu.memory_space<vmem>>) target(%dma_start3A_208 : memref<2048xf32, #tpu.memory_space<hbm>>) target_semaphore(%arg22 : memref<!tpu.dma_semaphore, #tpu.memory_space<semaphore_mem>>)
      %add3A_209 = arith.constant 1 : i32
      %add3A_210 = arith.addi %mul3A_35, %add3A_209 : i32
      %dma_start3A_211 = tpu.memref_slice %arg5[%add3A_210, %add3A_202] : memref<24x262144xf32, #tpu.memory_space<hbm>> -> memref<1x2048xf32, #tpu.memory_space<hbm>>
      %dma_start3A_212 = tpu.memref_squeeze %dma_start3A_211 : memref<1x2048xf32, #tpu.memory_space<hbm>> -> memref<2048xf32, #tpu.memory_space<hbm>>
      %dma_start3A_213 = tpu.memref_slice %arg5[%add3A_210, %add3A_202] : memref<24x262144xf32, #tpu.memory_space<hbm>> -> memref<1x2048xf32, #tpu.memory_space<hbm>>
      %dma_start3A_214 = tpu.memref_squeeze %dma_start3A_213 : memref<1x2048xf32, #tpu.memory_space<hbm>> -> memref<2048xf32, #tpu.memory_space<hbm>>
      tpu.enqueue_dma source(%arg17 : memref<2048xf32, #tpu.memory_space<vmem>>) target(%dma_start3A_214 : memref<2048xf32, #tpu.memory_space<hbm>>) target_semaphore(%arg22 : memref<!tpu.dma_semaphore, #tpu.memory_space<semaphore_mem>>)
      %add3A_215 = arith.constant 2 : i32
      %add3A_216 = arith.addi %mul3A_35, %add3A_215 : i32
      %dma_start3A_217 = tpu.memref_slice %arg5[%add3A_216, %add3A_202] : memref<24x262144xf32, #tpu.memory_space<hbm>> -> memref<1x2048xf32, #tpu.memory_space<hbm>>
      %dma_start3A_218 = tpu.memref_squeeze %dma_start3A_217 : memref<1x2048xf32, #tpu.memory_space<hbm>> -> memref<2048xf32, #tpu.memory_space<hbm>>
      %dma_start3A_219 = tpu.memref_slice %arg5[%add3A_216, %add3A_202] : memref<24x262144xf32, #tpu.memory_space<hbm>> -> memref<1x2048xf32, #tpu.memory_space<hbm>>
      %dma_start3A_220 = tpu.memref_squeeze %dma_start3A_219 : memref<1x2048xf32, #tpu.memory_space<hbm>> -> memref<2048xf32, #tpu.memory_space<hbm>>
      tpu.enqueue_dma source(%arg18 : memref<2048xf32, #tpu.memory_space<vmem>>) target(%dma_start3A_220 : memref<2048xf32, #tpu.memory_space<hbm>>) target_semaphore(%arg22 : memref<!tpu.dma_semaphore, #tpu.memory_space<semaphore_mem>>)
      %add3A_221 = arith.constant 2 : i32
      %add3A_222 = arith.addi %add3A_173, %add3A_221 : i32
      %lt3A_223 = arith.constant 32 : i32
      %lt3A_224 = arith.cmpi slt, %add3A_222, %lt3A_223 : i32
      %convert_element_type3A_225 = arith.extui %lt3A_224 : i1 to i32
      %cond3A_226 = arith.constant 0 : i32
      %cond3A_227 = arith.cmpi ne, %convert_element_type3A_225, %cond3A_226 : i32
      scf.if %cond3A_227 {
        %add3A_229 = arith.constant 2 : i32
        %add3A_230 = arith.addi %add3A_173, %add3A_229 : i32
        %mul3A_231 = arith.constant 2048 : i32
        %mul3A_232 = arith.muli %add3A_230, %mul3A_231 : i32
        %add3A_233 = arith.addi %mul3A_33, %mul3A_232 : i32
        %add3A_234 = arith.constant 0 : i32
        %add3A_235 = arith.addi %mul3A_35, %add3A_234 : i32
        %dma_start3A_236 = tpu.memref_slice %arg3[%add3A_235, %add3A_233] : memref<24x262144xf32, #tpu.memory_space<hbm>> -> memref<1x2048xf32, #tpu.memory_space<hbm>>
        %dma_start3A_237 = tpu.memref_squeeze %dma_start3A_236 : memref<1x2048xf32, #tpu.memory_space<hbm>> -> memref<2048xf32, #tpu.memory_space<hbm>>
        %dma_start3A_238 = tpu.memref_slice %arg3[%add3A_235, %add3A_233] : memref<24x262144xf32, #tpu.memory_space<hbm>> -> memref<1x2048xf32, #tpu.memory_space<hbm>>
        %dma_start3A_239 = tpu.memref_squeeze %dma_start3A_238 : memref<1x2048xf32, #tpu.memory_space<hbm>> -> memref<2048xf32, #tpu.memory_space<hbm>>
        tpu.enqueue_dma source(%dma_start3A_239 : memref<2048xf32, #tpu.memory_space<hbm>>) target(%arg10 : memref<2048xf32, #tpu.memory_space<vmem>>) target_semaphore(%arg20 : memref<!tpu.dma_semaphore, #tpu.memory_space<semaphore_mem>>)
        %add3A_240 = arith.constant 1 : i32
        %add3A_241 = arith.addi %mul3A_35, %add3A_240 : i32
        %dma_start3A_242 = tpu.memref_slice %arg3[%add3A_241, %add3A_233] : memref<24x262144xf32, #tpu.memory_space<hbm>> -> memref<1x2048xf32, #tpu.memory_space<hbm>>
        %dma_start3A_243 = tpu.memref_squeeze %dma_start3A_242 : memref<1x2048xf32, #tpu.memory_space<hbm>> -> memref<2048xf32, #tpu.memory_space<hbm>>
        %dma_start3A_244 = tpu.memref_slice %arg3[%add3A_241, %add3A_233] : memref<24x262144xf32, #tpu.memory_space<hbm>> -> memref<1x2048xf32, #tpu.memory_space<hbm>>
        %dma_start3A_245 = tpu.memref_squeeze %dma_start3A_244 : memref<1x2048xf32, #tpu.memory_space<hbm>> -> memref<2048xf32, #tpu.memory_space<hbm>>
        tpu.enqueue_dma source(%dma_start3A_245 : memref<2048xf32, #tpu.memory_space<hbm>>) target(%arg11 : memref<2048xf32, #tpu.memory_space<vmem>>) target_semaphore(%arg20 : memref<!tpu.dma_semaphore, #tpu.memory_space<semaphore_mem>>)
        %add3A_246 = arith.constant 2 : i32
        %add3A_247 = arith.addi %mul3A_35, %add3A_246 : i32
        %dma_start3A_248 = tpu.memref_slice %arg3[%add3A_247, %add3A_233] : memref<24x262144xf32, #tpu.memory_space<hbm>> -> memref<1x2048xf32, #tpu.memory_space<hbm>>
        %dma_start3A_249 = tpu.memref_squeeze %dma_start3A_248 : memref<1x2048xf32, #tpu.memory_space<hbm>> -> memref<2048xf32, #tpu.memory_space<hbm>>
        %dma_start3A_250 = tpu.memref_slice %arg3[%add3A_247, %add3A_233] : memref<24x262144xf32, #tpu.memory_space<hbm>> -> memref<1x2048xf32, #tpu.memory_space<hbm>>
        %dma_start3A_251 = tpu.memref_squeeze %dma_start3A_250 : memref<1x2048xf32, #tpu.memory_space<hbm>> -> memref<2048xf32, #tpu.memory_space<hbm>>
        tpu.enqueue_dma source(%dma_start3A_251 : memref<2048xf32, #tpu.memory_space<hbm>>) target(%arg12 : memref<2048xf32, #tpu.memory_space<vmem>>) target_semaphore(%arg20 : memref<!tpu.dma_semaphore, #tpu.memory_space<semaphore_mem>>)
      } else {
      }
      %scan3A_228 = arith.constant 0 : i32
      scf.yield %scan3A_228 : i32
    }
    %scan3A_80 = arith.constant 16 : i32
    %dma_wait3A = arith.constant 0 : i32
    %dma_wait3A_81 = tpu.memref_slice %arg3[%mul3A_35, %dma_wait3A] : memref<24x262144xf32, #tpu.memory_space<hbm>> -> memref<1x2048xf32, #tpu.memory_space<hbm>>
    %dma_wait3A_82 = tpu.memref_squeeze %dma_wait3A_81 : memref<1x2048xf32, #tpu.memory_space<hbm>> -> memref<2048xf32, #tpu.memory_space<hbm>>
    %dma_wait3A_83 = arith.constant 0 : i32
    %dma_wait3A_84 = tpu.memref_slice %arg3[%mul3A_35, %dma_wait3A_83] : memref<24x262144xf32, #tpu.memory_space<hbm>> -> memref<1x2048xf32, #tpu.memory_space<hbm>>
    %dma_wait3A_85 = tpu.memref_squeeze %dma_wait3A_84 : memref<1x2048xf32, #tpu.memory_space<hbm>> -> memref<2048xf32, #tpu.memory_space<hbm>>
    tpu.wait_dma2 semaphore(%arg21 : memref<!tpu.dma_semaphore, #tpu.memory_space<semaphore_mem>>) src(%dma_wait3A_85 : memref<2048xf32, #tpu.memory_space<hbm>>) dst(%arg13 : memref<2048xf32, #tpu.memory_space<vmem>>)
    %dma_wait3A_86 = arith.constant 0 : i32
    %dma_wait3A_87 = tpu.memref_slice %arg3[%mul3A_35, %dma_wait3A_86] : memref<24x262144xf32, #tpu.memory_space<hbm>> -> memref<1x2048xf32, #tpu.memory_space<hbm>>
    %dma_wait3A_88 = tpu.memref_squeeze %dma_wait3A_87 : memref<1x2048xf32, #tpu.memory_space<hbm>> -> memref<2048xf32, #tpu.memory_space<hbm>>
    %dma_wait3A_89 = arith.constant 0 : i32
    %dma_wait3A_90 = tpu.memref_slice %arg3[%mul3A_35, %dma_wait3A_89] : memref<24x262144xf32, #tpu.memory_space<hbm>> -> memref<1x2048xf32, #tpu.memory_space<hbm>>
    %dma_wait3A_91 = tpu.memref_squeeze %dma_wait3A_90 : memref<1x2048xf32, #tpu.memory_space<hbm>> -> memref<2048xf32, #tpu.memory_space<hbm>>
    tpu.wait_dma2 semaphore(%arg21 : memref<!tpu.dma_semaphore, #tpu.memory_space<semaphore_mem>>) src(%dma_wait3A_91 : memref<2048xf32, #tpu.memory_space<hbm>>) dst(%arg14 : memref<2048xf32, #tpu.memory_space<vmem>>)
    %dma_wait3A_92 = arith.constant 0 : i32
    %dma_wait3A_93 = tpu.memref_slice %arg3[%mul3A_35, %dma_wait3A_92] : memref<24x262144xf32, #tpu.memory_space<hbm>> -> memref<1x2048xf32, #tpu.memory_space<hbm>>
    %dma_wait3A_94 = tpu.memref_squeeze %dma_wait3A_93 : memref<1x2048xf32, #tpu.memory_space<hbm>> -> memref<2048xf32, #tpu.memory_space<hbm>>
    %dma_wait3A_95 = arith.constant 0 : i32
    %dma_wait3A_96 = tpu.memref_slice %arg3[%mul3A_35, %dma_wait3A_95] : memref<24x262144xf32, #tpu.memory_space<hbm>> -> memref<1x2048xf32, #tpu.memory_space<hbm>>
    %dma_wait3A_97 = tpu.memref_squeeze %dma_wait3A_96 : memref<1x2048xf32, #tpu.memory_space<hbm>> -> memref<2048xf32, #tpu.memory_space<hbm>>
    tpu.wait_dma2 semaphore(%arg21 : memref<!tpu.dma_semaphore, #tpu.memory_space<semaphore_mem>>) src(%dma_wait3A_97 : memref<2048xf32, #tpu.memory_space<hbm>>) dst(%arg15 : memref<2048xf32, #tpu.memory_space<vmem>>)
    %dma_wait3A_98 = arith.constant 0 : i32
    %dma_wait3A_99 = tpu.memref_slice %arg3[%mul3A_35, %dma_wait3A_98] : memref<24x262144xf32, #tpu.memory_space<hbm>> -> memref<1x2048xf32, #tpu.memory_space<hbm>>
    %dma_wait3A_100 = tpu.memref_squeeze %dma_wait3A_99 : memref<1x2048xf32, #tpu.memory_space<hbm>> -> memref<2048xf32, #tpu.memory_space<hbm>>
    %dma_wait3A_101 = arith.constant 0 : i32
    %dma_wait3A_102 = tpu.memref_slice %arg3[%mul3A_35, %dma_wait3A_101] : memref<24x262144xf32, #tpu.memory_space<hbm>> -> memref<1x2048xf32, #tpu.memory_space<hbm>>
    %dma_wait3A_103 = tpu.memref_squeeze %dma_wait3A_102 : memref<1x2048xf32, #tpu.memory_space<hbm>> -> memref<2048xf32, #tpu.memory_space<hbm>>
    tpu.wait_dma2 semaphore(%arg22 : memref<!tpu.dma_semaphore, #tpu.memory_space<semaphore_mem>>) src(%dma_wait3A_103 : memref<2048xf32, #tpu.memory_space<hbm>>) dst(%arg16 : memref<2048xf32, #tpu.memory_space<vmem>>)
    %dma_wait3A_104 = arith.constant 0 : i32
    %dma_wait3A_105 = tpu.memref_slice %arg3[%mul3A_35, %dma_wait3A_104] : memref<24x262144xf32, #tpu.memory_space<hbm>> -> memref<1x2048xf32, #tpu.memory_space<hbm>>
    %dma_wait3A_106 = tpu.memref_squeeze %dma_wait3A_105 : memref<1x2048xf32, #tpu.memory_space<hbm>> -> memref<2048xf32, #tpu.memory_space<hbm>>
    %dma_wait3A_107 = arith.constant 0 : i32
    %dma_wait3A_108 = tpu.memref_slice %arg3[%mul3A_35, %dma_wait3A_107] : memref<24x262144xf32, #tpu.memory_space<hbm>> -> memref<1x2048xf32, #tpu.memory_space<hbm>>
    %dma_wait3A_109 = tpu.memref_squeeze %dma_wait3A_108 : memref<1x2048xf32, #tpu.memory_space<hbm>> -> memref<2048xf32, #tpu.memory_space<hbm>>
    tpu.wait_dma2 semaphore(%arg22 : memref<!tpu.dma_semaphore, #tpu.memory_space<semaphore_mem>>) src(%dma_wait3A_109 : memref<2048xf32, #tpu.memory_space<hbm>>) dst(%arg17 : memref<2048xf32, #tpu.memory_space<vmem>>)
    %dma_wait3A_110 = arith.constant 0 : i32
    %dma_wait3A_111 = tpu.memref_slice %arg3[%mul3A_35, %dma_wait3A_110] : memref<24x262144xf32, #tpu.memory_space<hbm>> -> memref<1x2048xf32, #tpu.memory_space<hbm>>
    %dma_wait3A_112 = tpu.memref_squeeze %dma_wait3A_111 : memref<1x2048xf32, #tpu.memory_space<hbm>> -> memref<2048xf32, #tpu.memory_space<hbm>>
    %dma_wait3A_113 = arith.constant 0 : i32
    %dma_wait3A_114 = tpu.memref_slice %arg3[%mul3A_35, %dma_wait3A_113] : memref<24x262144xf32, #tpu.memory_space<hbm>> -> memref<1x2048xf32, #tpu.memory_space<hbm>>
    %dma_wait3A_115 = tpu.memref_squeeze %dma_wait3A_114 : memref<1x2048xf32, #tpu.memory_space<hbm>> -> memref<2048xf32, #tpu.memory_space<hbm>>
    tpu.wait_dma2 semaphore(%arg22 : memref<!tpu.dma_semaphore, #tpu.memory_space<semaphore_mem>>) src(%dma_wait3A_115 : memref<2048xf32, #tpu.memory_space<hbm>>) dst(%arg18 : memref<2048xf32, #tpu.memory_space<vmem>>)
    return
  }
}

</mosaic_0001>

<sc_bundles>
// kernel: kernel.3.cloned.1.call-start
scs
__scs_entry_jumppad:
0x0: {  	(pc) =	sbr.rel $0x88, $3  }
0x1: {  	(tag) =	ssettag $0x0;
	lr =	simm.s32 $0x1  }
0x2: {  	[smem:$0x3F9F] =	sst lr;
	_ =	strace $0xD0000000  }
0x3: {  	_ = 	snop  }
0x4: {  	_ = 	snop  }
0x5: {  	_ = 	snop  }
0x6: {  	_ = 	snop  }
0x7: {  	_ = 	snop  }
__scs_overlays_trampoline_lowered:
0x8: {  	[smem:$0x3FAE] =	sst s0  }
0x9: {  	[smem:$0x3FAF] =	sst s1  }
0xa: {  	[smem:$0x3FB0] =	sst s2  }
0xb: {  	[smem:$0x3FB1] =	sst s3  }
0xc: {  	[smem:$0x3FB2] =	sst s4  }
0xd: {  	[smem:$0x3FB3] =	sst s5  }
0xe: {  	[smem:$0x3FB4] =	sst s6  }
0xf: {  	[smem:$0x3FB5] =	sst s7  }
0x10: {  	[smem:$0x3FB6] =	sst s8  }
0x11: {  	[smem:$0x3FB7] =	sst s9;
	s0 =	simm.s32 @!p0 $0x0  }
0x12: {  	s1 =	sld [smem:$0x3F9D];
	s0 =	simm.s32 @p0 $0x1  }
0x13: {  	[smem:$0x3FB8] =	sst s0;
	s0 =	simm.s32 @!p1 $0x0  }
0x14: {  	s2 =	sld [smem:$0x3F9C];
	s0 =	simm.s32 @p1 $0x1  }
0x15: {  	[smem:$0x3FB9] =	sst s0;
	s0 =	simm.s32 @!p2 $0x0  }
0x16: {  	s3 =	sld [smem:$0x3FDB];
	s0 =	simm.s32 @p2 $0x1  }
0x17: {  	s4 =	simm.s32 $0x1BF5;
	[smem:$0x3FBB] =	sst s0  }
0x18: {  	s0 =	sld [smem:$0x3F9E];
	_ =	swait.ge [sflag:s4], $0x0  }
0x19: {  	s7 =	sld [smem:$0x3F9F]  }
0x1a: {  	s8 =	sadd.s32 $0xFFFFE003, lr  }
0x1b: {  	s9 =	sadd.s32 $0xFFFFFEF7, lr;
	s5 =	simm.s32 $0xFFFFFFFF;
	p2 =	slt.u32 s8, $0xFFFFF086  }
0x1c: {  	p1 =	slt.u32 s9, $0xF7A;
	s5 =	simm.s32 @!p2 $0x0  }
0x1d: {  	s5 =	simm.s32 @p1 $0x1;
	p0 =	seq.s32 s7, s2  }
0x1e: {  	s7 =	smul.u32 @!p0 $0xF7A, s2;
	p2 =	seq.s32 @!p0 s5, $0x0  }
0x1f: {  	s9 =	smul.u32 $0xF7A, s1;
	s8 =	simm.s32 @!p0 $0x1BF5;
	p2 =	por !p2, p0  }
0x20: {  	[sflag:s8] =	ssyncset.s32 @!p0 $0xFFFFF086;
	s6 =	sadd.s32 @!p0 s3, s7;
	s7 =	simm.s32 @!p0 $0x108  }
0x21: {  	s3 =	sadd.s32 s3, s9;
	s6 =	sadd.s32 @!p0 $0x88, s6;
	s7 =	simm.s32 @p2 $0x1082  }
0x22: {  	[simem:s7], [sflag:s8] =	dma.local @!p0 [hbm:s6], $0xF7A  }
0x23: {  	s9 =	sor.u32 $0xD0000000, s2;
	s6 =	simm.s32 $0x108;
	_ =	swait.ge @!p0 [sflag:s8], $0x0  }
0x24: {  	s3 =	sadd.s32 $0x88, s3;
	s6 =	simm.s32 @!p1 $0x1082;
	[sflag:s4] =	ssyncset.s32 $0xFFFFF086  }
0x25: {  	[simem:s6], [sflag:s4] =	dma.local [hbm:s3], $0xF7A  }
0x26: {  	[smem:$0x3F9F] =	sst s1;
	(tag) =	ssettag s2;
	_ =	strace s9  }
0x27: {  	s1 =	sld [smem:$0x3FAF]  }
0x28: {  	s2 =	sld [smem:$0x3FB0]  }
0x29: {  	s4 =	sld [smem:$0x3FB2]  }
0x2a: {  	p0 =	seq.s32 s5, $0x0;
	s5 =	sld [smem:$0x3FB3]  }
0x2b: {  	s6 =	sld [smem:$0x3FB4]  }
0x2c: {  	s7 =	sld [smem:$0x3FB5]  }
0x2d: {  	s3 =	simm.s32 $0x108;
	s8 =	sld [smem:$0x3FB6]  }
0x2e: {  	s3 =	simm.s32 @!p0 $0x1082;
	s9 =	sld [smem:$0x3FB7]  }
0x2f: {  	lr =	sadd.s32 s0, s3;
	s0 =	sld [smem:$0x3FAE]  }
0x30: {  	s3 =	sld [smem:$0x3FB1]  }
0x31: {  	[smem:$0x3FBA] =	sst s10  }
0x32: {  	s10 =	sld [smem:$0x3FB8];
	_ =	sdelay $0x3  }
0x33: {  	p0 =	seq.s32 s10, $0x1;
	s10 =	sld [smem:$0x3FBA];
	_ =	sdelay $0x3  }
0x34: {  	[smem:$0x3FBA] =	sst s10  }
0x35: {  	s10 =	sld [smem:$0x3FB9];
	_ =	sdelay $0x3  }
0x36: {  	p1 =	seq.s32 s10, $0x1;
	s10 =	sld [smem:$0x3FBA];
	_ =	sdelay $0x3  }
0x37: {  	[smem:$0x3FBA] =	sst s10  }
0x38: {  	s10 =	sld [smem:$0x3FBB]  }
0x39: {  	_ = 	snop;
	(pc) =	sbr.ind lr, $3  }
0x3a: {  	_ = 	snop  }
0x3b: {  	_ = 	snop  }
0x3c: {  	p2 =	seq.s32 s10, $0x1;
	s10 =	sld [smem:$0x3FBA]  }
0x3d: {  	_ =	shalt  }
0x3e: {  	_ =	shalt  }
0x3f: {  	_ =	shalt  }
0x40: {  	_ =	shalt  }
0x41: {  	_ =	shalt  }
0x42: {  	_ =	shalt  }
0x43: {  	_ =	shalt  }
0x44: {  	_ =	shalt  }
0x45: {  	_ =	shalt  }
0x46: {  	_ =	shalt  }
0x47: {  	_ =	shalt  }
0x48: {  	_ =	shalt  }
0x49: {  	_ =	shalt  }
0x4a: {  	_ =	shalt  }
0x4b: {  	_ =	shalt  }
0x4c: {  	_ =	shalt  }
0x4d: {  	_ =	shalt  }
0x4e: {  	_ =	shalt  }
0x4f: {  	_ =	shalt  }
0x50: {  	_ =	shalt  }
0x51: {  	_ =	shalt  }
0x52: {  	_ =	shalt  }
0x53: {  	_ =	shalt  }
0x54: {  	_ =	shalt  }
0x55: {  	_ =	shalt  }
0x56: {  	_ =	shalt  }
0x57: {  	_ =	shalt  }
0x58: {  	_ =	shalt  }
0x59: {  	_ =	shalt  }
0x5a: {  	_ =	shalt  }
0x5b: {  	_ =	shalt  }
0x5c: {  	_ =	shalt  }
0x5d: {  	_ =	shalt  }
0x5e: {  	_ =	shalt  }
0x5f: {  	_ =	shalt  }
0x60: {  	_ =	shalt  }
0x61: {  	_ =	shalt  }
0x62: {  	_ =	shalt  }
0x63: {  	_ =	shalt  }
0x64: {  	_ =	shalt  }
0x65: {  	_ =	shalt  }
0x66: {  	_ =	shalt  }
0x67: {  	_ =	shalt  }
0x68: {  	_ =	shalt  }
0x69: {  	_ =	shalt  }
0x6a: {  	_ =	shalt  }
0x6b: {  	_ =	shalt  }
0x6c: {  	_ =	shalt  }
0x6d: {  	_ =	shalt  }
0x6e: {  	_ =	shalt  }
0x6f: {  	_ =	shalt  }
0x70: {  	_ =	shalt  }
0x71: {  	_ =	shalt  }
0x72: {  	_ =	shalt  }
0x73: {  	_ =	shalt  }
0x74: {  	_ =	shalt  }
0x75: {  	_ =	shalt  }
0x76: {  	_ =	shalt  }
0x77: {  	_ =	shalt  }
0x78: {  	_ =	shalt  }
0x79: {  	_ =	shalt  }
0x7a: {  	_ =	shalt  }
0x7b: {  	_ =	shalt  }
0x7c: {  	_ =	shalt  }
0x7d: {  	_ =	shalt  }
0x7e: {  	_ =	shalt  }
0x7f: {  	_ =	shalt  }
0x80: {  	_ =	shalt  }
0x81: {  	_ =	shalt  }
0x82: {  	_ =	shalt  }
0x83: {  	_ =	shalt  }
0x84: {  	_ =	shalt  }
0x85: {  	_ =	shalt  }
0x86: {  	_ =	shalt  }
0x87: {  	_ =	shalt  }
.Lfunc_end0:
.L_simem_size_0:
called_computation_lowered:
.L_overlay_start_0:
0x88: {  	s2 =	sld [smem:$0x3FD9]  }
0x89: {  	s3 =	sld [smem:$0x3FFE];
	_ =	sdelay $0x1  }
0x8a: {  	s1 =	srdreg.scid  }
0x8b: {  	s0 =	sand.u32 $0x1, s1  }
0x8c: {  	s17 =	sshll.u32 s0, $0xA;
	s2 =	sadd.s32 s3, s2  }
0x8d: {  	s2 =	sadd.s32 s2, s17  }
0x8e: {  	[smem:$0x3FC6] =	sst s2  }
0x8f: {  	_ = 	snop  }
0x90: {  	s2 =	sld [smem:$0x3FD0];
	(tm) =	ssettm $0x1  }
0x91: {  	s18 =	sld [smem:$0x3FFB];
	_ =	sdelay $0x3  }
0x92: {  	_ =	strace s18  }
0x93: {  	s3 =	sld [smem:$0x3FFC];
	_ =	sdelay $0x3  }
0x94: {  	_ =	strace s3  }
0x95: {  	s3 =	sld [smem:$0x3FFD];
	_ =	sdelay $0x3  }
0x96: {  	_ =	strace s3  }
0x97: {  	_ =	strace $0x8FFFFFFF  }
0x98: {  	s19 =	sld [smem:$0x3FDB];
	_ =	sdelay $0x1  }
0x99: {  	s4 =	simm.s32 $_scs_section_size  }
0x9a: {  	s5 =	simm.s32 $_size__tile_overlayer_lowered;
	s6 =	simm.s32 $_tile_overlayer_lowered  }
0x9b: {  	s22 =	simm.s32 $0x1BFF;
	s21 =	sshll.u32 s6, $0x1;
	s3 =	sadd.s32 s4, s19  }
0x9c: {  	s7 =	simm.s32 $0x0;
	s20 =	sshll.u32 s5, $0x1;
	s5 =	sadd.s32 s21, s3  }
0x9d: {  	[timem:s7], [sflag:s22] =	dma.local [hbm:s5], s20  }
0x9e: {  	_ =	swait.ge [sflag:s22], s20  }
0x9f: {  	s4 =	ssub.s32 $0x0, s20;
	[sflag:s22] =	ssyncset.done $0x0  }
0xa0: {  	[sflag:s22] =	ssyncadd.s32 s4;
	_ =	sdelay $0x1  }
0xa1: {  	s23 =	simm.s32 $0x1B8B  }
0xa2: {  	_ =	swait.ge [sflag:s23], $0x1  }
0xa3: {  	[sflag:s23] =	ssyncset.done $0x0  }
0xa4: {  	s25 =	simm.s32 $0x1B8E;
	s24 =	sld [smem:$0x3FFE];
	[sflag:s23] =	ssyncadd.s32 $0xFFFFFFFF  }
0xa5: {  	s26 =	simm.s32 $execute0_lowered;
	[smem:$0x3FD2] =	sst s25  }
0xa6: {  	s5 =	sshll.u32 s26, $0x1;
	_ =	strace $0x80000046;
	[dreg:$0x1] =	wrdreg $0xFFFFFFFF  }
0xa7: {  	s28 =	simm.s32 $_size_execute0_lowered;
	s3 =	sadd.s32 s3, s5;
	[dreg:$0x0] =	wrdreg $0x0  }
0xa8: {  	s5 =	sshll.u32 s28, $0x1;
	[dreg:$0x2] =	wrdreg s3  }
0xa9: {  	[dreg:$0x3] =	wrdreg s5  }
0xaa: {  	[dreg:$0x4] =	wrdreg $0xC0  }
0xab: {  	_ =	task [dreg:s7], $0x5FFFF  }
0xac: {  	[dreg:$0x1] =	wrdreg $0xFFFFFFFF  }
0xad: {  	[dreg:$0x0] =	wrdreg $0x60  }
0xae: {  	[dreg:$0x2] =	wrdreg s24  }
0xaf: {  	[dreg:$0x3] =	wrdreg s2  }
0xb0: {  	[dreg:$0x4] =	wrdreg $0x9  }
0xb1: {  	_ =	task.clear_ibuf [dreg:s7], $0x5FFFF;
	_ =	strace $0x90000046  }
0xb2: {  	s29 =	simm.s32 $0x9;
	_ =	strace $0x80000048  }
0xb3: {  	_ =	swait.ge [sflag:s29], $0x1  }
0xb4: {  	[sflag:s29] =	ssyncadd.s32 $0xFFFFFFFF  }
0xb5: {  	_ =	strace $0x90000048  }
0xb6: {  	_ =	sfence  }
0xb7: {  	s30 =	sld [smem:$0x0];
	_ =	sdelay $0x2  }
0xb8: {  	s31 =	sshll.u32 s1, $0xD;
	s1 =	sshrl.u32 s1, $0x2  }
0xb9: {  	s3 =	sand.u32 $0x4000, s31;
	s1 =	sadd.s32 s1, s30  }
0xba: {  	s0 =	sor.u32 s3, s0;
	s1 =	sshll.u32 s1, $0x11  }
0xbb: {  	s0 =	sor.u32 s1, s0  }
0xbc: {  	s0 =	sadd.s32 $0x8F2B, s0  }
0xbd: {  	[sflag:s0] =	ssyncadd.remote.s32 $0x1  }
0xbe: {  	_ =	sfence.sel $0xFFFF  }
0xbf: {  	[dreg:$0x0] =	wrdreg $0xFFFFFFFF;
	(pc) =	sbr.abs _section_cstart, $3  }
0xc0: {  	[dreg:$0x1] =	wrdreg $0xFFFFFFFF  }
0xc1: {  	_ =	task.clear_ibuf [dreg:s7], $0x2FFFF;
	_ =	strace $0x9FFFFFFF  }
0xc2: {  	(tm) =	ssettm $0x7FFFFFFF  }
0xc3: {  	_ =	shalt  }
tec
execute0_lowered:
.L_overlay_start_1:
0x0: {  	(tag) =	ssettag $0x1  }
0x1: {  	s10 =	rddreg [dreg:$0x0]  }
0x2: {  	s3 =	rddreg [dreg:$0x1];
	s4 =	simm.s32 $0x0;
	s6 =	stileid.u32  }
0x3: {  	s0 =	srdreg.scid;
	s28 =	simm.s32 $0x8C80;
	[smem:$0x7FF] =	sst s4  }
0x4: {  	s1 =	sshrl.u32 s6, $0x1;
	s2 =	sadd.s32 $0x2400, s10;
	s0 =	sand.u32 $0x1, s0  }
0x5: {  	s6 =	sshll.u32 s6, $0x1;
	_ =	strace $0x80000047;
	s12 =	smul.u32 $0x3, s1  }
0x6: {  	[dreg:$0x3] =	wrdreg s2;
	s5 =	ssub.s32 $0x2, s0;
	s8 =	smul.u32 $0xC0000, s1  }
0x7: {  	s9 =	sand.u32 $0x2, s6;
	s1 =	smul.u32 $0x180, s1;
	s7 =	sshrl.u32 s5, $0x1  }
0x8: {  	s6 =	sadd.s32 $0x2600, s10;
	s0 =	sor.u32 s0, s9;
	s5 =	ssub.s32 s5, s7  }
0x9: {  	s7 =	sshll.u32 s0, $0x13;
	s13 =	sor.u32 s8, s1;
	s14 =	sadd.s32 $0x1, s12  }
0xa: {  	s2 =	sadd.s32 $0x2, s12;
	s8 =	sand.u32 $0x600380, s13;
	s15 =	sshll.u32 s14, $0x12  }
0xb: {  	s1 =	sshll.u32 s14, $0x7;
	s16 =	sshll.u32 s2, $0x12;
	s2 =	sshll.u32 s2, $0x7  }
0xc: {  	s12 =	sor.u32 $0x4000, s7;
	s31 =	smax.u32 s5, $0x1;
	s5 =	simm.s32 $0x90C0  }
0xd: {  	s14 =	simm.s32 $0x0;
	s17 =	sor.u32 s7, s8;
	s0 =	sor.u32 s15, s1  }
0xe: {  	s18 =	sor.u32 s16, s2;
	s23 =	sor.u32 s12, s8;
	[dreg:$0xa] =	wrdreg s31  }
0xf: {  	s2 =	simm.s32 $0x20;
	s15 =	simm.s32 $0x2;
	s19 =	sshrl.u32 s17, $0x3  }
0x10: {  	s9 =	sand.u32 $0xE00380, s0;
	s10 =	sand.u32 $0xE00380, s18;
	s18 =	sor.u32 $0x8000, s7  }
0x11: {  	s20 =	sadd.s32 s3, s19;
	s21 =	sor.u32 s7, s9;
	s1 =	sor.u32 s7, s10  }
0x12: {  	s24 =	sor.u32 s12, s9;
	s25 =	sor.u32 s12, s10;
	s19 =	sor.u32 $0xC000, s7  }
0x13: {  	[dreg:$0x4] =	wrdreg s20;
	s0 =	sshrl.u32 s21, $0x3;
	s1 =	sshrl.u32 s1, $0x3  }
0x14: {  	s26 =	sshrl.u32 s24, $0x3;
	s29 =	sshrl.u32 s25, $0x3;
	s24 =	simm.s32 $0x400  }
0x15: {  	s21 =	simm.s32 $0x440;
	s25 =	simm.s32 $0x460;
	s0 =	sadd.s32 s3, s0  }
.Ltmp0:
0x16: {  	s22 =	sadd.s32 s3, s1;
	[dreg:$0x5] =	wrdreg s0;
	(pc) =	sbr.rel .LBB2_1-.Ltmp0, $4  }
0x17: {  	s30 =	sadd.s32 s3, s29;
	[dreg:$0x6] =	wrdreg s22;
	s0 =	sshrl.u32 s23, $0x3  }
0x18: {  	s1 =	simm.s32 $0x90A0;
	[dreg:$0x9] =	wrdreg s30;
	s0 =	sadd.s32 s3, s0  }
0x19: {  	s23 =	simm.s32 $0x80;
	[dreg:$0x7] =	wrdreg s0;
	s0 =	sadd.s32 s3, s26  }
0x1a: {  	s26 =	simm.s32 $0x8C60;
	[dreg:$0x8] =	wrdreg s0;
	s0 =	simm.s32 $0x1  }
.LBB2_8:
0x1b: {  	s11 =	simm.s32 $0x3  }
0x1c: {  	_ =	swait.ge [sflag:s11], $0x800  }
0x1d: {  	[sflag:s11] =	ssyncset.done $0x0  }
0x1e: {  	[sflag:s11] =	ssyncadd.s32 $0xFFFFF800  }
0x1f: {  	_ =	swait.ge [sflag:s11], $0x800  }
0x20: {  	[sflag:s11] =	ssyncset.done $0x0  }
0x21: {  	[sflag:s11] =	ssyncadd.s32 $0xFFFFF800  }
0x22: {  	_ =	swait.ge [sflag:s11], $0x800  }
0x23: {  	[sflag:s11] =	ssyncset.done $0x0  }
0x24: {  	s13 =	simm.s32 $0x4;
	[sflag:s11] =	ssyncadd.s32 $0xFFFFF800  }
0x25: {  	_ =	swait.ge [sflag:s13], $0x800  }
0x26: {  	[sflag:s13] =	ssyncset.done $0x0  }
0x27: {  	[sflag:s13] =	ssyncadd.s32 $0xFFFFF800  }
0x28: {  	_ =	swait.ge [sflag:s13], $0x800  }
0x29: {  	[sflag:s13] =	ssyncset.done $0x0  }
0x2a: {  	[sflag:s13] =	ssyncadd.s32 $0xFFFFF800  }
0x2b: {  	_ =	swait.ge [sflag:s13], $0x800  }
0x2c: {  	s14 =	rddreg [dreg:$0xb]  }
0x2d: {  	s31 =	rddreg [dreg:$0xa];
	s14 =	sadd.s32 $0x1, s14  }
0x2e: {  	p0 =	sne.s32 s14, s31  }
.Ltmp1:
0x2f: {  	_ = 	snop;
	(pc) =	sbr.rel @!p0 .LBB2_9-.Ltmp1, $3  }
0x30: {  	_ =	sdelay $0x1  }
0x31: {  	[sflag:s13] =	ssyncset.done $0x0  }
0x32: {  	[sflag:s13] =	ssyncadd.s32 $0xFFFFF800  }
.LBB2_1:
0x33: {  	s11 =	rddreg [dreg:$0x3];
	s13 =	simm.s32 $0x17900  }
0x34: {  	[tilespmem:s13], [sflag:$0x5] =	stream.linear.gather [hbm4b:s11+s4], $0x1, $0x38;
	[tilespmem:$0x17980] =	vst v63  }
0x35: {  	[dreg:$0xb] =	wrdreg s14;
	s13 =	simm.s32 $0x5  }
0x36: {  	_ =	swait.ge [sflag:s13], $0x1  }
0x37: {  	[sflag:s13] =	ssyncset.done $0x0  }
0x38: {  	s20 =	simm.s32 $0x11900;
	s17 =	rddreg [dreg:$0x4];
	[sflag:s13] =	ssyncadd.s32 $0xFFFFFFFF  }
0x39: {  	v0 =	vld.msk [tilespmem:$0x17900 ss:$0x0], $0xffff;
	[tilespmem:s20], [sflag:$0x1] =	stream.strided.gather [hbm4b:s17+s23], $0x800, s24, s23, $0x38  }
0x3a: {  	s29 =	simm.s32 $0x12100;
	s22 =	rddreg [dreg:$0x5]  }
0x3b: {  	[tilespmem:s29], [sflag:$0x1] =	stream.strided.gather [hbm4b:s22+s23], $0x800, s24, s23, $0x38;
	[tilespmem:$0x17980] =	vst v63  }
0x3c: {  	s31 =	simm.s32 $0x12900;
	s30 =	rddreg [dreg:$0x6]  }
0x3d: {  	[tilespmem:s31], [sflag:$0x1] =	stream.strided.gather [hbm4b:s30+s23], $0x800, s24, s23, $0x38;
	[tilespmem:$0x17980] =	vst v63  }
0x3e: {  	s16 =	rddreg [dreg:$0x7];
	s17 =	simm.s32 $0x13100  }
0x3f: {  	[tilespmem:s17], [sflag:$0x2] =	stream.strided.gather [hbm4b:s16+s23], $0x800, s24, s23, $0x38;
	[tilespmem:$0x17980] =	vst v63  }
0x40: {  	s20 =	rddreg [dreg:$0x8];
	s22 =	simm.s32 $0x13900  }
0x41: {  	[tilespmem:s22], [sflag:$0x2] =	stream.strided.gather [hbm4b:s20+s23], $0x800, s24, s23, $0x38;
	[tilespmem:$0x17980] =	vst v63  }
0x42: {  	s29 =	rddreg [dreg:$0x9];
	s30 =	simm.s32 $0x14100  }
0x43: {  	[tilespmem:s30], [sflag:$0x2] =	stream.strided.gather [hbm4b:s29+s23], $0x800, s24, s23, $0x38;
	[tilespmem:$0x17980] =	vst v63  }
0x44: {  	s31 =	rddreg [dreg:$0x0]  }
0x45: {  	[tilespmem:s4], [sflag:$0x5] =	stream.linear.gather [hbm4b:s31+s4], $0x11900, $0x38;
	[tilespmem:$0x17980] =	vst v63  }
0x46: {  	_ =	swait.ge [sflag:s13], $0x11900  }
0x47: {  	[sflag:s13] =	ssyncset.done $0x0  }
0x48: {  	s22 =	simm.s32 $0x0;
	[sflag:s13] =	ssyncadd.s32 $0xFFFEE700  }
.LBB2_2:
0x49: {  	_ =	swait.ge [sflag:s0], $0x800  }
0x4a: {  	[sflag:s0] =	ssyncset.done $0x0  }
0x4b: {  	[sflag:s0] =	ssyncadd.s32 $0xFFFFF800  }
0x4c: {  	_ =	swait.ge [sflag:s0], $0x800  }
0x4d: {  	[sflag:s0] =	ssyncset.done $0x0  }
0x4e: {  	[sflag:s0] =	ssyncadd.s32 $0xFFFFF800  }
0x4f: {  	_ =	swait.ge [sflag:s0], $0x800  }
0x50: {  	p0 =	seq.s32 s22, $0x0;
	[sflag:s0] =	ssyncset.done $0x0  }
0x51: {  	s11 =	simm.s32 @!p0 $0x3;
	[sflag:s0] =	ssyncadd.s32 $0xFFFFF800  }
0x52: {  	_ =	swait.ge @!p0 [sflag:s11], $0x800  }
0x53: {  	[sflag:s11] =	ssyncset.done @!p0 $0x0  }
0x54: {  	[sflag:s11] =	ssyncadd.s32 @!p0 $0xFFFFF800  }
0x55: {  	_ =	swait.ge @!p0 [sflag:s11], $0x800  }
0x56: {  	[sflag:s11] =	ssyncset.done @!p0 $0x0  }
0x57: {  	[sflag:s11] =	ssyncadd.s32 @!p0 $0xFFFFF800  }
0x58: {  	_ =	swait.ge @!p0 [sflag:s11], $0x800  }
0x59: {  	[sflag:s11] =	ssyncset.done @!p0 $0x0  }
0x5a: {  	s17 =	simm.s32 $0x12110;
	[sflag:s11] =	ssyncadd.s32 @!p0 $0xFFFFF800  }
0x5b: {  	s13 =	simm.s32 $0x12910;
	v1 =	vld [tilespmem:s17+$0x0]  }
0x5c: {  	s14 =	simm.s32 $0x11910;
	v2 =	vld [tilespmem:s13+$0x0]  }
0x5d: {  	v3 =	vld [tilespmem:s14+$0x0];
	_ =	sdelay $0x2  }
0x5e: {  	v4 =	vld [tilespmem:s17+$0xFFFFFFF0];
	v1 =	vmul.f32 v1, v0  }
0x5f: {  	v5 =	vld [tilespmem:s13+$0xFFFFFFF0];
	v2 =	vmul.f32 v2, v0  }
0x60: {  	v3 =	vmul.f32 v3, v0;
	v6 =	vtrunc.f32 v1  }
0x61: {  	v7 =	vtrunc.f32 v2;
	v6 =	vcvt.f32.s32 v6  }
0x62: {  	v8 =	vtrunc.f32 v3;
	v7 =	vcvt.f32.s32 v7  }
0x63: {  	v10 =	vld [tilespmem:s14+$0xFFFFFFF0];
	v4 =	vmul.f32 v4, v0;
	v8 =	vcvt.f32.s32 v8;
	v9 =	vmul.u32 $0x21, v6  }
0x64: {  	v5 =	vmul.f32 v5, v0;
	v11 =	vmul.u32 $0x441, v7  }
0x65: {  	v12 =	vtrunc.f32 v4;
	v6 =	vcvt.s32.f32 v6;
	v9 =	vadd.s32 v8, v9  }
0x66: {  	v7 =	vcvt.s32.f32 v7;
	v8 =	vcvt.s32.f32 v8;
	v9 =	vadd.s32 v11, v9  }
0x67: {  	v6 =	vsub.f32 v1, v6;
	v11 =	vcvt.f32.s32 v12;
	v12 =	vadd.s32 $0x1, v9  }
0x68: {  	v13 =	vtrunc.f32 v5;
	v2 =	vsub.f32 v2, v7;
	v7 =	vmul.f32 v10, v0  }
0x69: {  	v1 =	vcvt.f32.s32 v13;
	v3 =	vsub.f32 v3, v8;
	v10 =	vsub.f32 $1.000000000e+00, v6  }
0x6a: {  	v13 =	vsub.f32 $1.000000000e+00, v2;
	v14 =	vtrunc.f32 v7;
	v15 =	vadd.s32 $0x2, v9  }
0x6b: {  	v8 =	vmul.u32 $0x21, v11;
	v11 =	vcvt.s32.f32 v11;
	v14 =	vcvt.f32.s32 v14;
	v16 =	vld.idx.msk [tilespmem:v9+s4+$0x0], $0xffff  }
0x6c: {  	v18 =	vsub.f32 $1.000000000e+00, v3;
	v19 =	vmul.f32 v13, v10;
	v13 =	vmul.f32 v13, v6;
	v17 =	vld.idx.msk [tilespmem:v12+s4+$0x0], $0xffff  }
0x6d: {  	v10 =	vmul.f32 v2, v10;
	v4 =	vsub.f32 v4, v11;
	v11 =	vcvt.s32.f32 v1  }
0x6e: {  	v1 =	vmul.u32 $0x441, v1;
	v21 =	vmul.f32 v19, v18;
	v19 =	vmul.f32 v19, v3;
	v20 =	vld.idx.msk [tilespmem:v12+s2+$0x0], $0xffff  }
0x6f: {  	v22 =	vcvt.s32.f32 v14;
	v8 =	vadd.s32 v14, v8;
	v14 =	vmul.f32 v13, v18  }
0x70: {  	v5 =	vsub.f32 v5, v11;
	v11 =	vld.idx.msk [tilespmem:v15+s2+$0x0], $0xffff;
	v23 =	vpack.i.f32.bf16 v21, v21;
	v24 =	vpack.i.f32.bf16 v19, v19  }
0x71: {  	v8 =	vadd.s32 v1, v8;
	v1 =	vmul.bf16 v16, v23;
	v16 =	vmul.bf16 v17, v24  }
0x72: {  	v2 =	vmul.f32 v2, v6;
	v13 =	vmul.f32 v13, v3;
	v23 =	vpack.i.f32.bf16 v14, v14;
	v17 =	vld.idx.msk [tilespmem:v12+s21+$0x0], $0xffff  }
0x73: {  	v9 =	vadd.s32 $0x3, v9;
	v20 =	vmul.bf16 v20, v23;
	v16 =	vadd.bf16 v16, v1  }
0x74: {  	v25 =	vmul.f32 v10, v18;
	v10 =	vmul.f32 v10, v3;
	v26 =	vpack.i.f32.bf16 v13, v13;
	v24 =	vld.idx.msk [tilespmem:v15+s21+$0x0], $0xffff  }
0x75: {  	v27 =	vmul.f32 v2, v3;
	v11 =	vmul.bf16 v11, v26;
	v16 =	vadd.bf16 v20, v16  }
0x76: {  	v6 =	vpack.i.f32.bf16 v25, v25;
	v23 =	vsub.f32 $1.000000000e+00, v4;
	v1 =	vadd.s32 $0x1, v8;
	v20 =	vld.idx.msk [tilespmem:v15+s25+$0x0], $0xffff  }
0x77: {  	v26 =	vsub.f32 $1.000000000e+00, v5;
	v6 =	vmul.bf16 v17, v6;
	v11 =	vadd.bf16 v11, v16  }
0x78: {  	v7 =	vsub.f32 v7, v22;
	v17 =	vmul.f32 v2, v18;
	v18 =	vpack.i.f32.bf16 v10, v10;
	v16 =	vld.idx.msk [tilespmem:v9+s25+$0x0], $0xffff  }
0x79: {  	v22 =	vmul.f32 v26, v23;
	v6 =	vadd.bf16 v6, v11;
	v11 =	vmul.bf16 v24, v18  }
0x7a: {  	v28 =	vld.idx.msk [tilespmem:v8+s4+$0x0], $0xffff;
	v26 =	vmul.f32 v26, v4;
	v3 =	vpack.i.f32.bf16 v17, v17;
	v24 =	vsub.f32 $1.000000000e+00, v7  }
0x7b: {  	v2 =	vadd.s32 $0x2, v8;
	v18 =	vld.idx.msk [tilespmem:v1+s4+$0x0], $0xffff;
	v3 =	vmul.bf16 v20, v3;
	v6 =	vadd.bf16 v11, v6  }
0x7c: {  	v20 =	vmul.f32 v22, v7;
	v11 =	vmul.f32 v22, v24;
	v22 =	vpack.i.f32.bf16 v27, v27  }
0x7d: {  	v29 =	vld.idx.msk [tilespmem:v1+s2+$0x0], $0xffff;
	v3 =	vadd.bf16 v3, v6;
	v6 =	vmul.bf16 v16, v22  }
0x7e: {  	s16 =	simm.s32 $0x12130;
	v13 =	vpack.i.f32.bf16 v13, v14;
	v23 =	vmul.f32 v5, v23;
	v30 =	vmul.f32 v26, v24  }
0x7f: {  	v14 =	vld [tilespmem:s16+$0x0];
	v16 =	vpack.i.f32.bf16 v11, v11;
	v22 =	vpack.i.f32.bf16 v20, v20;
	v3 =	vadd.bf16 v6, v3  }
0x80: {  	v18 =	vmul.bf16 v18, v22;
	v16 =	vmul.bf16 v28, v16;
	v22 =	vld.idx.msk [tilespmem:v2+s2+$0x0], $0xffff  }
0x81: {  	s13 =	simm.s32 $0x14910;
	v28 =	vpack.i.f32.bf16 v30, v30;
	v6 =	vmul.f32 v26, v7;
	v26 =	vld.idx.msk [tilespmem:v1+s21+$0x0], $0xffff;
	v31 =	vunpack.i.l.bf16.f32 v3  }
0x82: {  	s11 =	simm.s32 $0x15110;
	v8 =	vadd.s32 $0x3, v8;
	v28 =	vmul.bf16 v29, v28;
	v29 =	vld.idx.msk [tilespmem:v2+s21+$0x0], $0xffff;
	v3 =	vunpack.i.u.bf16.f32 v3;
	[tilespmem:s13+$0x0] =	vst v31  }
0x83: {  	v4 =	vmul.f32 v5, v4;
	v5 =	vadd.bf16 v18, v16;
	v16 =	vld.idx.msk [tilespmem:v2+s25+$0x0], $0xffff;
	[tilespmem:s11+$0x0] =	vst v3  }
0x84: {  	v18 =	vmul.f32 v23, v24;
	v3 =	vpack.i.f32.bf16 v6, v6;
	v12 =	vld.idx.msk [tilespmem:v12+s26+$0x0], $0xffff  }
0x85: {  	v14 =	vmul.f32 v14, v0;
	v5 =	vadd.bf16 v28, v5;
	v3 =	vmul.bf16 v22, v3;
	v22 =	vld.idx.msk [tilespmem:v15+s28+$0x0], $0xffff  }
0x86: {  	v23 =	vmul.f32 v23, v7;
	v24 =	vmul.f32 v4, v24;
	v28 =	vpack.i.f32.bf16 v18, v18;
	v15 =	vld.idx.msk [tilespmem:v15+s1+$0x0], $0xffff  }
0x87: {  	v4 =	vmul.f32 v4, v7;
	v7 =	vmul.bf16 v26, v28;
	v26 =	vld.idx.msk [tilespmem:v8+s25+$0x0], $0xffff;
	v5 =	vadd.bf16 v3, v5  }
0x88: {  	v10 =	vpack.i.f32.bf16 v10, v25;
	v31 =	vpack.i.f32.bf16 v23, v23;
	v28 =	vld.idx.msk [tilespmem:v9+s5+$0x0], $0xffff;
	v9 =	vpack.i.f32.bf16 v19, v21  }
0x89: {  	s20 =	simm.s32 $0x12930;
	v3 =	vpack.i.f32.bf16 v20, v11;
	v20 =	vmul.bf16 v29, v31;
	v5 =	vadd.bf16 v7, v5  }
0x8a: {  	s17 =	simm.s32 $0x11930;
	v11 =	vpack.i.f32.bf16 v24, v24;
	v7 =	vld [tilespmem:s20+$0x0];
	v9 =	vmul.bf16 v12, v9;
	v12 =	vmul.bf16 v22, v13  }
0x8b: {  	v6 =	vpack.i.f32.bf16 v6, v30;
	v11 =	vmul.bf16 v16, v11;
	v13 =	vld [tilespmem:s17+$0x0];
	v5 =	vadd.bf16 v20, v5  }
0x8c: {  	v16 =	vpack.i.f32.bf16 v4, v4;
	v10 =	vmul.bf16 v15, v10;
	v12 =	vadd.bf16 v12, v9  }
0x8d: {  	v15 =	vpack.i.f32.bf16 v27, v17;
	v5 =	vadd.bf16 v11, v5;
	v11 =	vmul.bf16 v26, v16  }
0x8e: {  	v9 =	vpack.i.f32.bf16 v23, v18;
	v16 =	vld [tilespmem:s16+$0xFFFFFFF0];
	v10 =	vadd.bf16 v10, v12;
	v12 =	vmul.bf16 v28, v15  }
0x8f: {  	v15 =	vld [tilespmem:s20+$0xFFFFFFF0];
	v17 =	vmul.f32 v7, v0;
	v7 =	vpack.i.f32.bf16 v4, v24;
	v5 =	vadd.bf16 v11, v5  }
0x90: {  	v13 =	vmul.f32 v13, v0;
	v4 =	vadd.bf16 v12, v10;
	v10 =	vtrunc.f32 v14  }
0x91: {  	v11 =	vld [tilespmem:s17+$0xFFFFFFF0];
	v12 =	vtrunc.f32 v17;
	v18 =	vunpack.i.u.bf16.f32 v5;
	v10 =	vcvt.f32.s32 v10  }
0x92: {  	v20 =	vtrunc.f32 v13;
	v19 =	vunpack.i.u.bf16.f32 v4;
	v4 =	vunpack.i.l.bf16.f32 v4  }
0x93: {  	v12 =	vcvt.f32.s32 v12;
	v16 =	vmul.f32 v16, v0;
	v4 =	vadd.f32 v4, v19  }
0x94: {  	v19 =	vcvt.f32.s32 v20;
	v20 =	vmul.u32 $0x21, v10;
	v15 =	vmul.f32 v15, v0  }
0x95: {  	v21 =	vmul.u32 $0x441, v12;
	v10 =	vcvt.s32.f32 v10;
	v12 =	vcvt.s32.f32 v12  }
0x96: {  	v23 =	vunpack.i.l.bf16.f32 v5;
	v11 =	vmul.f32 v11, v0;
	v22 =	vtrunc.f32 v16  }
0x97: {  	v20 =	vadd.s32 v19, v20;
	v5 =	vcvt.f32.s32 v22;
	v22 =	vtrunc.f32 v15  }
0x98: {  	v19 =	vcvt.s32.f32 v19;
	v10 =	vsub.f32 v14, v10;
	v20 =	vadd.s32 v21, v20  }
0x99: {  	v12 =	vsub.f32 v17, v12;
	v22 =	vcvt.f32.s32 v22;
	v21 =	vadd.s32 $0x1, v20  }
0x9a: {  	v25 =	vtrunc.f32 v11;
	v24 =	vmul.u32 $0x21, v5;
	v5 =	vcvt.s32.f32 v5  }
0x9b: {  	v14 =	vcvt.f32.s32 v25;
	v13 =	vsub.f32 v13, v19;
	v17 =	vsub.f32 $1.000000000e+00, v10  }
0x9c: {  	v19 =	vsub.f32 $1.000000000e+00, v12;
	v25 =	vadd.s32 $0x2, v20;
	v27 =	vsub.f32 v16, v5  }
0x9d: {  	v5 =	vcvt.s32.f32 v22;
	v16 =	vmul.u32 $0x441, v22;
	v28 =	vcvt.s32.f32 v14;
	v26 =	vld.idx.msk [tilespmem:v20+s4+$0x0], $0xffff  }
0x9e: {  	v29 =	vsub.f32 $1.000000000e+00, v13;
	v30 =	vmul.f32 v19, v17;
	v17 =	vmul.f32 v12, v17;
	v22 =	vld.idx.msk [tilespmem:v21+s4+$0x0], $0xffff  }
0x9f: {  	v15 =	vsub.f32 v15, v5;
	v5 =	vadd.s32 v14, v24;
	v14 =	vmul.f32 v19, v10  }
0xa0: {  	v31 =	vmul.f32 v30, v29;
	v30 =	vmul.f32 v30, v13;
	v19 =	vld.idx.msk [tilespmem:v21+s2+$0x0], $0xffff  }
0xa1: {  	[tilespmem:s13+$0xFFFFFFF0] =	vst v23;
	v37 =	vadd.s32 $0x3, v20;
	v32 =	vsub.f32 $1.000000000e+00, v27;
	v48 =	vmul.f32 v17, v29  }
0xa2: {  	v33 =	vld.idx.msk [tilespmem:v25+s2+$0x0], $0xffff;
	v34 =	vmul.f32 v14, v29;
	v35 =	vpack.i.f32.bf16 v31, v31;
	v36 =	vpack.i.f32.bf16 v30, v30  }
0xa3: {  	[tilespmem:s11+$0xFFFFFFF0] =	vst v18;
	v11 =	vsub.f32 v11, v28;
	v20 =	vmul.bf16 v26, v35;
	v22 =	vmul.bf16 v22, v36  }
0xa4: {  	v24 =	vadd.s32 v16, v5;
	v14 =	vmul.f32 v14, v13;
	v47 =	vpack.i.f32.bf16 v34, v34;
	v26 =	vld.idx.msk [tilespmem:v21+s21+$0x0], $0xffff  }
0xa5: {  	v1 =	vld.idx.msk [tilespmem:v1+s26+$0x0], $0xffff;
	v16 =	vsub.f32 $1.000000000e+00, v15;
	v19 =	vmul.bf16 v19, v47;
	v20 =	vadd.bf16 v22, v20  }
0xa6: {  	v10 =	vmul.f32 v12, v10;
	v23 =	vsub.f32 $1.000000000e+00, v11;
	v49 =	vpack.i.f32.bf16 v14, v14;
	v22 =	vld.idx.msk [tilespmem:v25+s21+$0x0], $0xffff  }
0xa7: {  	v28 =	vmul.f32 v16, v32;
	v19 =	vadd.bf16 v19, v20;
	v20 =	vmul.bf16 v33, v49  }
0xa8: {  	v12 =	vmul.f32 v17, v13;
	v50 =	vld.idx.msk [tilespmem:v25+s25+$0x0], $0xffff;
	v5 =	vadd.s32 $0x1, v24;
	v17 =	vpack.i.f32.bf16 v48, v48  }
0xa9: {  	v8 =	vld.idx.msk [tilespmem:v8+s5+$0x0], $0xffff;
	v38 =	vmul.f32 v28, v23;
	v17 =	vmul.bf16 v26, v17;
	v19 =	vadd.bf16 v20, v19  }
0xaa: {  	v26 =	vmul.f32 v28, v11;
	v28 =	vmul.f32 v10, v29;
	v29 =	vpack.i.f32.bf16 v12, v12;
	v20 =	vld.idx.msk [tilespmem:v37+s25+$0x0], $0xffff  }
0xab: {  	v1 =	vmul.bf16 v1, v3;
	v17 =	vadd.bf16 v17, v19;
	v19 =	vmul.bf16 v22, v29  }
0xac: {  	v40 =	vmul.f32 v16, v27;
	v39 =	vld.idx.msk [tilespmem:v24+s4+$0x0], $0xffff;
	v22 =	vmul.f32 v10, v13;
	v10 =	vpack.i.f32.bf16 v28, v28  }
0xad: {  	v16 =	vadd.s32 $0x2, v24;
	v51 =	vld.idx.msk [tilespmem:v5+s4+$0x0], $0xffff;
	v10 =	vmul.bf16 v50, v10;
	v17 =	vadd.bf16 v19, v17  }
0xae: {  	v7 =	vmul.bf16 v8, v7;
	v32 =	vmul.f32 v15, v32;
	v19 =	vld.idx.msk [tilespmem:v2+s28+$0x0], $0xffff;
	v41 =	vpack.i.f32.bf16 v22, v22  }
0xaf: {  	v15 =	vmul.f32 v15, v27;
	v18 =	vld.idx.msk [tilespmem:v5+s2+$0x0], $0xffff;
	v10 =	vadd.bf16 v10, v17;
	v17 =	vmul.bf16 v20, v41  }
0xb0: {  	v53 =	vmul.f32 v40, v11;
	v56 =	vmul.f32 v32, v23;
	v54 =	vld.idx.msk [tilespmem:v5+s21+$0x0], $0xffff;
	v52 =	vpack.i.f32.bf16 v26, v26  }
0xb1: {  	v13 =	vpack.i.f32.bf16 v38, v38;
	v29 =	vmul.f32 v40, v23;
	v2 =	vld.idx.msk [tilespmem:v2+s1+$0x0], $0xffff;
	v10 =	vadd.bf16 v17, v10  }
0xb2: {  	v14 =	vpack.i.f32.bf16 v14, v34;
	v33 =	vmul.bf16 v51, v52;
	v13 =	vmul.bf16 v39, v13;
	v17 =	vld.idx.msk [tilespmem:v16+s2+$0x0], $0xffff  }
0xb3: {  	s16 =	simm.s32 $0x14930;
	v55 =	vld.idx.msk [tilespmem:v16+s21+$0x0], $0xffff;
	v20 =	vpack.i.f32.bf16 v29, v29;
	v6 =	vmul.bf16 v19, v6;
	v57 =	vunpack.i.l.bf16.f32 v10  }
0xb4: {  	s30 =	simm.s32 $0x12150;
	s17 =	simm.s32 $0x15130;
	v42 =	vld.idx.msk [tilespmem:v16+s25+$0x0], $0xffff;
	v18 =	vmul.bf16 v18, v20;
	v20 =	vadd.s32 $0x3, v24;
	v10 =	vunpack.i.u.bf16.f32 v10;
	[tilespmem:s16+$0x0] =	vst v57  }
0xb5: {  	v32 =	vmul.f32 v32, v11;
	v27 =	vpack.i.f32.bf16 v53, v53;
	v1 =	vadd.bf16 v6, v1;
	v6 =	vld [tilespmem:s30+$0x0];
	[tilespmem:s17+$0x0] =	vst v10  }
0xb6: {  	v11 =	vmul.f32 v15, v11;
	v23 =	vmul.f32 v15, v23;
	v13 =	vadd.bf16 v33, v13;
	v21 =	vld.idx.msk [tilespmem:v21+s26+$0x0], $0xffff  }
0xb7: {  	v24 =	vpack.i.f32.bf16 v32, v32;
	v2 =	vmul.bf16 v2, v9;
	v17 =	vmul.bf16 v17, v27;
	v27 =	vld.idx.msk [tilespmem:v25+s28+$0x0], $0xffff  }
0xb8: {  	v18 =	vadd.bf16 v18, v13;
	v10 =	vpack.i.f32.bf16 v26, v38;
	v26 =	vpack.i.f32.bf16 v23, v23;
	v3 =	vld.idx.msk [tilespmem:v25+s1+$0x0], $0xffff  }
0xb9: {  	v13 =	vpack.i.f32.bf16 v56, v56;
	v25 =	vmul.bf16 v42, v26;
	v26 =	vld.idx.msk [tilespmem:v20+s25+$0x0], $0xffff;
	v1 =	vadd.bf16 v2, v1  }
0xba: {  	s20 =	simm.s32 $0x12950;
	v24 =	vmul.bf16 v55, v24;
	v15 =	vmul.bf16 v54, v13;
	v9 =	vld.idx.msk [tilespmem:v37+s5+$0x0], $0xffff;
	v18 =	vadd.bf16 v17, v18  }
0xbb: {  	v13 =	vpack.i.f32.bf16 v53, v29;
	v29 =	vpack.i.f32.bf16 v11, v11;
	v1 =	vadd.bf16 v7, v1;
	v7 =	vld [tilespmem:s20+$0xFFFFFFF0]  }
0xbc: {  	v17 =	vpack.i.f32.bf16 v11, v23;
	v11 =	vadd.bf16 v15, v18;
	v15 =	vld [tilespmem:s20+$0x0];
	v18 =	vpack.i.f32.bf16 v30, v31  }
0xbd: {  	v12 =	vpack.i.f32.bf16 v12, v48;
	v18 =	vmul.bf16 v21, v18;
	v14 =	vmul.bf16 v27, v14  }
0xbe: {  	s31 =	simm.s32 $0x11950;
	v19 =	vpack.i.f32.bf16 v32, v56;
	v6 =	vmul.f32 v6, v0;
	v8 =	vadd.bf16 v24, v11  }
0xbf: {  	v3 =	vmul.bf16 v3, v12;
	v12 =	vmul.bf16 v26, v29;
	v11 =	vld [tilespmem:s31+$0x0];
	v2 =	vadd.bf16 v14, v18  }
0xc0: {  	v14 =	vpack.i.f32.bf16 v22, v28;
	v7 =	vmul.f32 v7, v0;
	v8 =	vadd.bf16 v25, v8  }
0xc1: {  	v2 =	vadd.bf16 v3, v2;
	v3 =	vmul.bf16 v9, v14;
	v9 =	vmul.f32 v15, v0  }
0xc2: {  	v18 =	vld [tilespmem:s30+$0xFFFFFFF0];
	v14 =	vtrunc.f32 v6;
	v26 =	vtrunc.f32 v7;
	v8 =	vadd.bf16 v12, v8  }
0xc3: {  	v14 =	vcvt.f32.s32 v14;
	v26 =	vcvt.f32.s32 v26;
	v3 =	vadd.bf16 v3, v2  }
0xc4: {  	v12 =	vld [tilespmem:s31+$0xFFFFFFF0];
	v11 =	vmul.f32 v11, v0;
	v15 =	vtrunc.f32 v9;
	v21 =	vunpack.i.u.bf16.f32 v8  }
0xc5: {  	v15 =	vcvt.f32.s32 v15;
	v22 =	vunpack.i.u.bf16.f32 v3;
	v3 =	vunpack.i.l.bf16.f32 v3  }
0xc6: {  	v8 =	vunpack.i.l.bf16.f32 v8;
	v23 =	vtrunc.f32 v11;
	v22 =	vadd.f32 v3, v22  }
0xc7: {  	v3 =	vmul.f32 v18, v0;
	v18 =	vcvt.f32.s32 v23;
	v23 =	vmul.u32 $0x21, v14  }
0xc8: {  	v24 =	vmul.u32 $0x441, v15;
	v14 =	vcvt.s32.f32 v14;
	v15 =	vcvt.s32.f32 v15  }
0xc9: {  	[tilespmem:s16+$0xFFFFFFF0] =	vst v8;
	v12 =	vmul.f32 v12, v0;
	v25 =	vtrunc.f32 v3;
	v23 =	vadd.s32 v18, v23  }
0xca: {  	[tilespmem:s17+$0xFFFFFFF0] =	vst v21;
	v18 =	vcvt.s32.f32 v18;
	v14 =	vsub.f32 v6, v14;
	v15 =	vsub.f32 v9, v15  }
0xcb: {  	v5 =	vld.idx.msk [tilespmem:v5+s26+$0x0], $0xffff;
	v25 =	vcvt.f32.s32 v25;
	v23 =	vadd.s32 v24, v23;
	v28 =	vtrunc.f32 v12  }
0xcc: {  	v55 =	vld.idx.msk [tilespmem:v16+s28+$0x0], $0xffff;
	v24 =	vadd.s32 $0x1, v23;
	v6 =	vcvt.f32.s32 v28;
	v18 =	vsub.f32 v11, v18  }
0xcd: {  	v11 =	vsub.f32 $1.000000000e+00, v14;
	v29 =	vadd.s32 $0x2, v23;
	v49 =	vmul.f32 v15, v14  }
0xce: {  	v27 =	vmul.u32 $0x21, v25;
	v9 =	vcvt.s32.f32 v25;
	v25 =	vsub.f32 $1.000000000e+00, v15  }
0xcf: {  	v31 =	vcvt.s32.f32 v6;
	v58 =	vsub.f32 $1.000000000e+00, v18;
	v46 =	vmul.f32 v15, v11  }
0xd0: {  	v10 =	vmul.bf16 v5, v10;
	v30 =	vsub.f32 v3, v9;
	v3 =	vcvt.s32.f32 v26;
	v28 =	vld.idx.msk [tilespmem:v23+s4+$0x0], $0xffff  }
0xd1: {  	v13 =	vmul.bf16 v55, v13;
	v9 =	vmul.u32 $0x441, v26;
	v59 =	vmul.f32 v25, v11;
	v26 =	vld.idx.msk [tilespmem:v24+s4+$0x0], $0xffff  }
0xd2: {  	v25 =	vmul.f32 v25, v14;
	v31 =	vsub.f32 v12, v31;
	v34 =	vsub.f32 v7, v3  }
0xd3: {  	v3 =	vadd.s32 v6, v27;
	v27 =	vld.idx.msk [tilespmem:v24+s2+$0x0], $0xffff;
	v6 =	vmul.f32 v59, v58;
	v7 =	vmul.f32 v59, v18  }
0xd4: {  	v12 =	vmul.f32 v46, v58;
	v15 =	vmul.f32 v46, v18;
	v35 =	vadd.s32 v9, v3  }
0xd5: {  	v62 =	vld.idx.msk [tilespmem:v29+s2+$0x0], $0xffff;
	v9 =	vmul.f32 v25, v58;
	v63 =	vpack.i.f32.bf16 v6, v6;
	v44 =	vpack.i.f32.bf16 v7, v7  }
0xd6: {  	v45 =	vadd.s32 $0x3, v23;
	v23 =	vmul.bf16 v28, v63;
	v26 =	vmul.bf16 v26, v44  }
0xd7: {  	v60 =	vsub.f32 $1.000000000e+00, v30;
	v11 =	vmul.f32 v25, v18;
	v25 =	vpack.i.f32.bf16 v9, v9;
	v28 =	vld.idx.msk [tilespmem:v24+s21+$0x0], $0xffff  }
0xd8: {  	v18 =	vmul.f32 v49, v18;
	v25 =	vmul.bf16 v27, v25;
	v23 =	vadd.bf16 v26, v23  }
0xd9: {  	v48 =	vsub.f32 $1.000000000e+00, v31;
	v3 =	vadd.s32 $0x1, v35;
	v47 =	vpack.i.f32.bf16 v11, v11;
	v26 =	vld.idx.msk [tilespmem:v29+s21+$0x0], $0xffff  }
0xda: {  	v61 =	vsub.f32 $1.000000000e+00, v34;
	v8 =	vadd.bf16 v25, v23;
	v23 =	vmul.bf16 v62, v47  }
0xdb: {  	v14 =	vpack.i.f32.bf16 v12, v12;
	v52 =	vpack.i.f32.bf16 v15, v15;
	v33 =	vmul.f32 v34, v60;
	v25 =	vld.idx.msk [tilespmem:v29+s25+$0x0], $0xffff  }
0xdc: {  	v36 =	vmul.f32 v61, v30;
	v53 =	vld.idx.msk [tilespmem:v35+s4+$0x0], $0xffff;
	v8 =	vadd.bf16 v23, v8;
	v23 =	vmul.bf16 v28, v14  }
0xdd: {  	v43 =	vpack.i.f32.bf16 v18, v18;
	v27 =	vmul.f32 v61, v60;
	v28 =	vld.idx.msk [tilespmem:v45+s25+$0x0], $0xffff;
	v14 =	vmul.f32 v49, v58  }
0xde: {  	v61 =	vmul.f32 v33, v48;
	v50 =	vld.idx.msk [tilespmem:v3+s4+$0x0], $0xffff;
	v26 =	vmul.bf16 v26, v52;
	v23 =	vadd.bf16 v23, v8  }
0xdf: {  	v51 =	vmul.f32 v27, v48;
	v8 =	vadd.s32 $0x2, v35;
	v54 =	vpack.i.f32.bf16 v14, v14  }
0xe0: {  	v27 =	vmul.f32 v27, v31;
	v21 =	vld.idx.msk [tilespmem:v3+s2+$0x0], $0xffff;
	v25 =	vmul.bf16 v25, v54;
	v23 =	vadd.bf16 v26, v23  }
0xe1: {  	v57 =	vld.idx.msk [tilespmem:v16+s1+$0x0], $0xffff;
	v33 =	vmul.f32 v33, v31;
	v56 =	vmul.f32 v36, v48;
	v16 =	vpack.i.f32.bf16 v51, v51  }
0xe2: {  	v59 =	vld.idx.msk [tilespmem:v3+s21+$0x0], $0xffff;
	v26 =	vpack.i.f32.bf16 v27, v27;
	v23 =	vadd.bf16 v25, v23;
	v25 =	vmul.bf16 v28, v43  }
0xe3: {  	v2 =	vunpack.i.u.bf16.f32 v1;
	v58 =	vld.idx.msk [tilespmem:v20+s5+$0x0], $0xffff;
	v16 =	vmul.bf16 v53, v16;
	v26 =	vmul.bf16 v50, v26  }
0xe4: {  	s13 =	simm.s32 $0x15910;
	v20 =	vmul.f32 v36, v31;
	v28 =	vpack.i.f32.bf16 v56, v56;
	v23 =	vadd.bf16 v25, v23;
	v25 =	vld.idx.msk [tilespmem:v8+s2+$0x0], $0xffff  }
0xe5: {  	s11 =	simm.s32 $0x15930;
	[tilespmem:s13+$0x0] =	vst v4;
	v5 =	vpack.i.f32.bf16 v33, v61;
	v21 =	vmul.bf16 v21, v28;
	v26 =	vadd.bf16 v26, v16  }
0xe6: {  	s14 =	simm.s32 $0x14950;
	[tilespmem:s11+$0x0] =	vst v22;
	v28 =	vmul.f32 v34, v30;
	v30 =	vpack.i.f32.bf16 v20, v20;
	v60 =	vld.idx.msk [tilespmem:v8+s21+$0x0], $0xffff;
	v4 =	vunpack.i.l.bf16.f32 v23  }
0xe7: {  	s16 =	simm.s32 $0x15150;
	v22 =	vld.idx.msk [tilespmem:v8+s25+$0x0], $0xffff;
	v16 =	vadd.s32 $0x3, v35;
	v62 =	vadd.bf16 v21, v26;
	v21 =	vunpack.i.u.bf16.f32 v23;
	[tilespmem:s14+$0x0] =	vst v4  }
0xe8: {  	v41 =	vmul.f32 v28, v48;
	v31 =	vmul.f32 v28, v31;
	v4 =	vpack.i.f32.bf16 v61, v61;
	[tilespmem:s16+$0x0] =	vst v21  }
0xe9: {  	v36 =	vmul.bf16 v59, v4;
	v4 =	vpack.i.f32.bf16 v27, v51;
	v21 =	vld.idx.msk [tilespmem:v24+s26+$0x0], $0xffff;
	v27 =	vmul.bf16 v25, v30  }
0xea: {  	v17 =	vmul.bf16 v58, v17;
	v23 =	vpack.i.f32.bf16 v33, v33;
	v28 =	vpack.i.f32.bf16 v41, v41;
	v25 =	vld.idx.msk [tilespmem:v29+s28+$0x0], $0xffff  }
0xeb: {  	v26 =	vpack.i.f32.bf16 v31, v31;
	v30 =	vmul.bf16 v60, v23;
	v23 =	vld.idx.msk [tilespmem:v29+s1+$0x0], $0xffff;
	v63 =	vadd.bf16 v27, v62  }
0xec: {  	v28 =	vmul.bf16 v22, v28;
	v24 =	vpack.i.f32.bf16 v20, v56;
	v29 =	vld.idx.msk [tilespmem:v16+s25+$0x0], $0xffff;
	v20 =	vmul.bf16 v57, v19  }
0xed: {  	s29 =	sshll.u32 s22, $0xF;
	s20 =	simm.s32 $0x12970;
	s17 =	simm.s32 $0x40;
	v19 =	vld.idx.msk [tilespmem:v45+s5+$0x0], $0xffff;
	v27 =	vpack.i.f32.bf16 v31, v41;
	v31 =	vadd.bf16 v13, v10;
	v32 =	vadd.bf16 v36, v63  }
.LBB2_3:
0xee: {  	v22 =	vld [tilespmem:s20+$0x0];
	v6 =	vpack.i.f32.bf16 v7, v6;
	v7 =	vpack.i.f32.bf16 v11, v9;
	s30 =	sadd.s32 $0x20, s30;
	v1 =	vunpack.i.l.bf16.f32 v1;
	v13 =	vmovc v24;
	v10 =	vmovc v27  }
0xef: {  	s31 =	sadd.s32 $0x20, s31;
	v9 =	vld [tilespmem:s30+$0x0];
	v11 =	vadd.bf16 v30, v32;
	v6 =	vmul.bf16 v21, v6;
	v7 =	vmul.bf16 v25, v7  }
0xf0: {  	v12 =	vpack.i.f32.bf16 v15, v12;
	v15 =	vadd.bf16 v20, v31;
	v2 =	vadd.f32 v1, v2;
	v21 =	vld [tilespmem:s31+$0x0]  }
0xf1: {  	s17 =	sadd.s32 $0x20, s17;
	v20 =	vld [tilespmem:s30+$0xFFFFFFF0];
	v11 =	vadd.bf16 v28, v11;
	v6 =	vadd.bf16 v7, v6;
	v7 =	vmul.bf16 v23, v12  }
0xf2: {  	v14 =	vpack.i.f32.bf16 v18, v14;
	p1 =	slt.u32 s17, $0x7E0;
	v23 =	vmul.bf16 v29, v26;
	v1 =	vadd.bf16 v17, v15;
	v12 =	vld [tilespmem:s20+$0xFFFFFFF0];
	[tilespmem:s13+$0xFFFFFFF0] =	vst v2;
	s13 =	smov.u32 s11  }
0xf3: {  	v15 =	vld [tilespmem:s31+$0xFFFFFFF0];
	v2 =	vadd.bf16 v7, v6;
	v6 =	vmul.bf16 v19, v14  }
0xf4: {  	v11 =	vadd.bf16 v23, v11;
	v7 =	vmul.f32 v9, v0;
	v9 =	vmul.f32 v22, v0  }
0xf5: {  	v14 =	vmul.f32 v21, v0;
	v6 =	vadd.bf16 v6, v2;
	v2 =	vunpack.i.u.bf16.f32 v1  }
0xf6: {  	v19 =	vunpack.i.u.bf16.f32 v11;
	v17 =	vtrunc.f32 v7;
	v18 =	vtrunc.f32 v9  }
0xf7: {  	v17 =	vcvt.f32.s32 v17;
	v21 =	vunpack.i.u.bf16.f32 v6;
	v6 =	vunpack.i.l.bf16.f32 v6  }
0xf8: {  	v22 =	vtrunc.f32 v14;
	v18 =	vcvt.f32.s32 v18;
	v6 =	vadd.f32 v6, v21  }
0xf9: {  	s11 =	sadd.s32 $0x20, s11;
	v24 =	vmul.f32 v20, v0;
	v20 =	vcvt.f32.s32 v22;
	v21 =	vmul.u32 $0x21, v17  }
0xfa: {  	v12 =	vmul.f32 v12, v0;
	v15 =	vmul.f32 v15, v0;
	v22 =	vmul.u32 $0x441, v18;
	[tilespmem:s11+$0x0] =	vst v6  }
0xfb: {  	v11 =	vunpack.i.l.bf16.f32 v11;
	v6 =	vtrunc.f32 v24;
	v21 =	vadd.s32 v20, v21  }
0xfc: {  	v23 =	vtrunc.f32 v12;
	v6 =	vcvt.f32.s32 v6;
	v25 =	vadd.s32 v22, v21;
	[tilespmem:s14+$0xFFFFFFF0] =	vst v11  }
0xfd: {  	v11 =	vcvt.s32.f32 v17;
	v17 =	vcvt.s32.f32 v18;
	v21 =	vadd.s32 $0x1, v25;
	[tilespmem:s16+$0xFFFFFFF0] =	vst v19  }
0xfe: {  	v20 =	vcvt.s32.f32 v20;
	v18 =	vcvt.f32.s32 v23;
	v26 =	vmul.u32 $0x21, v6;
	v19 =	vld.idx.msk [tilespmem:v3+s26+$0x0], $0xffff  }
0xff: {  	v3 =	vtrunc.f32 v15;
	v27 =	vsub.f32 v7, v11;
	v28 =	vsub.f32 v9, v17;
	v17 =	vld.idx.msk [tilespmem:v8+s28+$0x0], $0xffff  }
0x100: {  	v6 =	vcvt.s32.f32 v6;
	v29 =	vsub.f32 v14, v20;
	v3 =	vcvt.f32.s32 v3;
	v20 =	vld.idx.msk [tilespmem:v8+s1+$0x0], $0xffff  }
0x101: {  	v23 =	vadd.s32 $0x2, v25;
	v8 =	vsub.f32 $1.000000000e+00, v27;
	v7 =	vsub.f32 $1.000000000e+00, v28;
	v11 =	vld.idx.msk [tilespmem:v25+s4+$0x0], $0xffff  }
0x102: {  	v9 =	vmul.u32 $0x441, v18;
	v24 =	vsub.f32 v24, v6;
	v6 =	vcvt.s32.f32 v18;
	v14 =	vld.idx.msk [tilespmem:v21+s4+$0x0], $0xffff  }
0x103: {  	v30 =	vsub.f32 $1.000000000e+00, v29;
	v18 =	vcvt.s32.f32 v3;
	v31 =	vmul.f32 v7, v8;
	v22 =	vld.idx.msk [tilespmem:v16+s5+$0x0], $0xffff  }
0x104: {  	v3 =	vadd.s32 v3, v26;
	v16 =	vsub.f32 v12, v6;
	v12 =	vmul.f32 v7, v27;
	v26 =	vld.idx.msk [tilespmem:v21+s2+$0x0], $0xffff  }
0x105: {  	v32 =	vadd.s32 v9, v3;
	v6 =	vmul.f32 v31, v30;
	v7 =	vmul.f32 v31, v29  }
0x106: {  	v3 =	vadd.s32 $0x1, v32;
	v31 =	vsub.f32 $1.000000000e+00, v24;
	v33 =	vsub.f32 $1.000000000e+00, v16;
	v34 =	vld.idx.msk [tilespmem:v23+s2+$0x0], $0xffff  }
0x107: {  	v9 =	vmul.f32 v12, v30;
	v35 =	vpack.i.f32.bf16 v6, v6;
	v36 =	vpack.i.f32.bf16 v7, v7  }
0x108: {  	v37 =	vadd.s32 $0x3, v25;
	v25 =	vmul.bf16 v11, v35;
	v14 =	vmul.bf16 v14, v36;
	v35 =	vld.idx.msk [tilespmem:v21+s21+$0x0], $0xffff  }
0x109: {  	v8 =	vmul.f32 v28, v8;
	v11 =	vmul.f32 v12, v29;
	v12 =	vpack.i.f32.bf16 v9, v9  }
0x10a: {  	v36 =	vsub.f32 v15, v18;
	v14 =	vadd.bf16 v14, v25;
	v15 =	vmul.bf16 v26, v12;
	v18 =	vld.idx.msk [tilespmem:v23+s21+$0x0], $0xffff  }
0x10b: {  	v25 =	vmul.f32 v33, v31;
	v12 =	vmul.f32 v8, v30;
	v38 =	vpack.i.f32.bf16 v11, v11;
	v26 =	vld.idx.msk [tilespmem:v3+s4+$0x0], $0xffff  }
0x10c: {  	v39 =	vsub.f32 $1.000000000e+00, v36;
	v14 =	vadd.bf16 v15, v14;
	v34 =	vmul.bf16 v34, v38;
	v38 =	vld.idx.msk [tilespmem:v23+s25+$0x0], $0xffff  }
0x10d: {  	v27 =	vmul.f32 v28, v27;
	v15 =	vmul.f32 v8, v29;
	v8 =	vpack.i.f32.bf16 v12, v12;
	v40 =	vld.idx.msk [tilespmem:v32+s4+$0x0], $0xffff  }
0x10e: {  	v28 =	vmul.f32 v25, v39;
	v34 =	vadd.bf16 v34, v14;
	v8 =	vmul.bf16 v35, v8;
	v35 =	vld.idx.msk [tilespmem:v37+s25+$0x0], $0xffff  }
0x10f: {  	v25 =	vmul.f32 v25, v36;
	v14 =	vmul.f32 v27, v30;
	v30 =	vpack.i.f32.bf16 v15, v15;
	v41 =	vld.idx.msk [tilespmem:v3+s2+$0x0], $0xffff  }
0x110: {  	v33 =	vmul.f32 v33, v24;
	v34 =	vadd.bf16 v8, v34;
	v30 =	vmul.bf16 v18, v30;
	v42 =	vld.idx.msk [tilespmem:v3+s21+$0x0], $0xffff  }
0x111: {  	v8 =	vadd.s32 $0x2, v32;
	v18 =	vmul.f32 v27, v29;
	v27 =	vpack.i.f32.bf16 v14, v14  }
0x112: {  	v29 =	vpack.i.f32.bf16 v28, v28;
	v30 =	vadd.bf16 v30, v34;
	v27 =	vmul.bf16 v38, v27  }
0x113: {  	v34 =	vmul.f32 v33, v39;
	v38 =	vpack.i.f32.bf16 v25, v25;
	v43 =	vpack.i.f32.bf16 v18, v18  }
0x114: {  	v26 =	vmul.bf16 v26, v38;
	v27 =	vadd.bf16 v27, v30;
	v30 =	vmul.bf16 v35, v43  }
0x115: {  	v33 =	vmul.f32 v33, v36;
	v29 =	vmul.bf16 v40, v29;
	v35 =	vpack.i.f32.bf16 v34, v34  }
0x116: {  	v31 =	vmul.f32 v16, v31;
	v35 =	vmul.bf16 v41, v35;
	v27 =	vadd.bf16 v30, v27;
	v38 =	vld.idx.msk [tilespmem:v8+s2+$0x0], $0xffff  }
0x117: {  	v24 =	vmul.f32 v16, v24;
	v26 =	vadd.bf16 v26, v29;
	v29 =	vpack.i.f32.bf16 v33, v33;
	v30 =	vld.idx.msk [tilespmem:v8+s21+$0x0], $0xffff  }
0x118: {  	s14 =	sadd.s32 $0x20, s14;
	v40 =	vmul.f32 v31, v39;
	v31 =	vmul.f32 v31, v36;
	v43 =	vunpack.i.l.bf16.f32 v27;
	v41 =	vld.idx.msk [tilespmem:v8+s25+$0x0], $0xffff  }
0x119: {  	s16 =	sadd.s32 $0x20, s16;
	v16 =	vadd.s32 $0x3, v32;
	v32 =	vadd.bf16 v35, v26;
	v26 =	vunpack.i.u.bf16.f32 v27;
	[tilespmem:s14+$0x0] =	vst v43  }
0x11a: {  	v35 =	vpack.i.f32.bf16 v40, v40;
	v27 =	vmul.f32 v24, v39;
	v39 =	vpack.i.f32.bf16 v31, v31;
	[tilespmem:s16+$0x0] =	vst v26  }
0x11b: {  	v28 =	vpack.i.f32.bf16 v25, v28;
	v36 =	vmul.f32 v24, v36;
	v35 =	vmul.bf16 v42, v35;
	v21 =	vld.idx.msk [tilespmem:v21+s26+$0x0], $0xffff  }
.Ltmp2:
0x11c: {  	v24 =	vpack.i.f32.bf16 v33, v34;
	v29 =	vmul.bf16 v38, v29;
	v38 =	vpack.i.f32.bf16 v27, v27;
	v25 =	vld.idx.msk [tilespmem:v23+s28+$0x0], $0xffff;
	(pc) =	sbr.rel @p1 .LBB2_3-.Ltmp2, $4  }
0x11d: {  	v33 =	vmul.bf16 v19, v4;
	v4 =	vmovc v28;
	v26 =	vpack.i.f32.bf16 v36, v36;
	v30 =	vmul.bf16 v30, v39  }
0x11e: {  	v13 =	vmul.bf16 v17, v13;
	v19 =	vadd.bf16 v29, v32;
	v28 =	vmul.bf16 v41, v38;
	v23 =	vld.idx.msk [tilespmem:v23+s1+$0x0], $0xffff  }
0x11f: {  	v20 =	vmul.bf16 v20, v5;
	v5 =	vpack.i.f32.bf16 v31, v40;
	v27 =	vpack.i.f32.bf16 v36, v27;
	v29 =	vld.idx.msk [tilespmem:v16+s25+$0x0], $0xffff  }
0x120: {  	s20 =	sadd.s32 $0x20, s20;
	v17 =	vmul.bf16 v22, v10;
	v31 =	vadd.bf16 v13, v33;
	v32 =	vadd.bf16 v35, v19;
	v19 =	vld.idx.msk [tilespmem:v37+s5+$0x0], $0xffff  }
0x121: {  	_ = 	snop  }
0x122: {  	v10 =	vadd.bf16 v30, v32;
	_ =	sdelay $0x1  }
0x123: {  	v10 =	vadd.bf16 v28, v10;
	v13 =	vmul.bf16 v29, v26;
	_ =	sdelay $0x1  }
0x124: {  	v10 =	vadd.bf16 v13, v10;
	_ =	sdelay $0x1  }
0x125: {  	v13 =	vunpack.i.l.bf16.f32 v10  }
0x126: {  	v10 =	vunpack.i.u.bf16.f32 v10;
	[tilespmem:s14+$0xFFFFFFF0] =	vst v13  }
0x127: {  	[tilespmem:s16+$0xFFFFFFF0] =	vst v10  }
0x128: {  	v3 =	vld.idx.msk [tilespmem:v3+s26+$0x0], $0xffff  }
0x129: {  	v10 =	vld.idx.msk [tilespmem:v8+s28+$0x0], $0xffff  }
0x12a: {  	v6 =	vpack.i.f32.bf16 v7, v6;
	v7 =	vpack.i.f32.bf16 v11, v9  }
0x12b: {  	v6 =	vmul.bf16 v21, v6;
	v7 =	vmul.bf16 v25, v7;
	v8 =	vld.idx.msk [tilespmem:v8+s1+$0x0], $0xffff  }
0x12c: {  	v9 =	vpack.i.f32.bf16 v15, v12  }
0x12d: {  	v6 =	vadd.bf16 v7, v6;
	v7 =	vmul.bf16 v23, v9;
	v9 =	vld.idx.msk [tilespmem:v16+s5+$0x0], $0xffff  }
0x12e: {  	v3 =	vmul.bf16 v3, v4;
	v4 =	vmul.bf16 v10, v24  }
0x12f: {  	v6 =	vadd.bf16 v7, v6;
	v10 =	vpack.i.f32.bf16 v18, v14  }
0x130: {  	v5 =	vmul.bf16 v8, v5;
	v7 =	vmul.bf16 v19, v10;
	v3 =	vadd.bf16 v4, v3  }
0x131: {  	v1 =	vunpack.i.l.bf16.f32 v1;
	v4 =	vadd.bf16 v20, v31  }
0x132: {  	v6 =	vadd.bf16 v7, v6;
	v7 =	vmul.bf16 v9, v27;
	v3 =	vadd.bf16 v5, v3  }
0x133: {  	v1 =	vadd.f32 v1, v2;
	v2 =	vadd.bf16 v17, v4  }
0x134: {  	v4 =	vunpack.i.u.bf16.f32 v6;
	v5 =	vunpack.i.l.bf16.f32 v6;
	v3 =	vadd.bf16 v7, v3  }
0x135: {  	v6 =	vunpack.i.u.bf16.f32 v2;
	v4 =	vadd.f32 v5, v4;
	v2 =	vunpack.i.l.bf16.f32 v2  }
0x136: {  	[tilespmem:s13+$0xFFFFFFF0] =	vst v1;
	s13 =	sadd.s32 $0x20, s11;
	s14 =	sor.u32 s7, s29;
	v1 =	vadd.f32 v2, v6;
	v2 =	vunpack.i.u.bf16.f32 v3;
	v3 =	vunpack.i.l.bf16.f32 v3  }
0x137: {  	s20 =	sor.u32 s14, s8;
	[tilespmem:s13+$0x0] =	vst v4;
	v2 =	vadd.f32 v3, v2  }
0x138: {  	s17 =	sshrl.u32 s20, $0x3;
	[tilespmem:s11+$0xFFFFFFF0] =	vst v1  }
0x139: {  	s20 =	simm.s32 $0x14900;
	s11 =	sadd.s32 s6, s17;
	[tilespmem:s13+$0xFFFFFFF0] =	vst v2;
	s13 =	sor.u32 s14, s9  }
0x13a: {  	[hbm4b:s11+s23] =	stream.strided.scatter [tilespmem:s20], [sflag:$0x3], $0x800, s24, s23, $0x38;
	[tilespmem:$0x17980] =	vst v63  }
0x13b: {  	s11 =	sshrl.u32 s13, $0x3  }
0x13c: {  	s16 =	simm.s32 $0x15100;
	s17 =	sor.u32 s14, s10;
	s11 =	sadd.s32 s6, s11  }
0x13d: {  	[hbm4b:s11+s23] =	stream.strided.scatter [tilespmem:s16], [sflag:$0x3], $0x800, s24, s23, $0x38;
	[tilespmem:$0x17980] =	vst v63  }
0x13e: {  	s11 =	sshrl.u32 s17, $0x3  }
0x13f: {  	p1 =	seq.s32 s22, $0xF;
	s20 =	simm.s32 $0x15900;
	s11 =	sadd.s32 s6, s11  }
0x140: {  	[hbm4b:s11+s23] =	stream.strided.scatter [tilespmem:s20], [sflag:$0x3], $0x800, s24, s23, $0x38;
	[tilespmem:$0x17980] =	vst v63  }
0x141: {  	s11 =	sadd.s32 @!p1 s29, s18  }
0x142: {  	s13 =	sadd.s32 @!p1 s8, s11  }
0x143: {  	s14 =	simm.s32 @!p1 $0x80;
	s13 =	sshrl.u32 @!p1 s13, $0x3  }
0x144: {  	s16 =	simm.s32 @!p1 $0x400;
	s17 =	simm.s32 @!p1 $0x11900;
	s13 =	sadd.s32 @!p1 s3, s13  }
0x145: {  	[tilespmem:s17], [sflag:$0x1] =	stream.strided.gather @!p1 [hbm4b:s13+s14], $0x800, s16, s14, $0x38;
	[tilespmem:$0x17980] =	vst v63  }
0x146: {  	s13 =	sadd.s32 @!p1 s9, s11  }
0x147: {  	s11 =	sadd.s32 @!p1 s10, s11;
	s13 =	sshrl.u32 @!p1 s13, $0x3  }
0x148: {  	s17 =	simm.s32 @!p1 $0x12100;
	s11 =	sshrl.u32 @!p1 s11, $0x3;
	s13 =	sadd.s32 @!p1 s3, s13  }
0x149: {  	[tilespmem:s17], [sflag:$0x1] =	stream.strided.gather @!p1 [hbm4b:s13+s14], $0x800, s16, s14, $0x38;
	[tilespmem:$0x17980] =	vst v63  }
0x14a: {  	s11 =	sadd.s32 @!p1 s3, s11;
	s13 =	simm.s32 @!p1 $0x12900  }
0x14b: {  	[tilespmem:s13], [sflag:$0x1] =	stream.strided.gather @!p1 [hbm4b:s11+s14], $0x800, s16, s14, $0x38;
	[tilespmem:$0x17980] =	vst v63  }
0x14c: {  	_ =	swait.ge [sflag:s15], $0x800  }
0x14d: {  	[sflag:s15] =	ssyncset.done $0x0  }
0x14e: {  	[sflag:s15] =	ssyncadd.s32 $0xFFFFF800  }
0x14f: {  	_ =	swait.ge [sflag:s15], $0x800  }
0x150: {  	[sflag:s15] =	ssyncset.done $0x0  }
0x151: {  	[sflag:s15] =	ssyncadd.s32 $0xFFFFF800  }
0x152: {  	_ =	swait.ge [sflag:s15], $0x800  }
0x153: {  	[sflag:s15] =	ssyncset.done $0x0  }
0x154: {  	s11 =	simm.s32 @!p0 $0x4;
	[sflag:s15] =	ssyncadd.s32 $0xFFFFF800  }
0x155: {  	_ =	swait.ge @!p0 [sflag:s11], $0x800  }
0x156: {  	[sflag:s11] =	ssyncset.done @!p0 $0x0  }
0x157: {  	[sflag:s11] =	ssyncadd.s32 @!p0 $0xFFFFF800  }
0x158: {  	_ =	swait.ge @!p0 [sflag:s11], $0x800  }
0x159: {  	[sflag:s11] =	ssyncset.done @!p0 $0x0  }
0x15a: {  	[sflag:s11] =	ssyncadd.s32 @!p0 $0xFFFFF800  }
0x15b: {  	_ =	swait.ge @!p0 [sflag:s11], $0x800  }
0x15c: {  	[sflag:s11] =	ssyncset.done @!p0 $0x0  }
0x15d: {  	s13 =	simm.s32 $0x13910;
	[sflag:s11] =	ssyncadd.s32 @!p0 $0xFFFFF800  }
0x15e: {  	s14 =	simm.s32 $0x14110;
	v1 =	vld [tilespmem:s13+$0x0]  }
0x15f: {  	s16 =	simm.s32 $0x13110;
	v2 =	vld [tilespmem:s14+$0x0]  }
0x160: {  	v3 =	vld [tilespmem:s16+$0x0];
	_ =	sdelay $0x2  }
0x161: {  	v4 =	vld [tilespmem:s13+$0xFFFFFFF0];
	v1 =	vmul.f32 v1, v0  }
0x162: {  	v5 =	vld [tilespmem:s14+$0xFFFFFFF0];
	v2 =	vmul.f32 v2, v0  }
0x163: {  	v3 =	vmul.f32 v3, v0;
	v6 =	vtrunc.f32 v1  }
0x164: {  	v7 =	vtrunc.f32 v2;
	v6 =	vcvt.f32.s32 v6  }
0x165: {  	v8 =	vtrunc.f32 v3;
	v7 =	vcvt.f32.s32 v7  }
0x166: {  	v10 =	vld [tilespmem:s16+$0xFFFFFFF0];
	v4 =	vmul.f32 v4, v0;
	v8 =	vcvt.f32.s32 v8;
	v9 =	vmul.u32 $0x21, v6  }
0x167: {  	v5 =	vmul.f32 v5, v0;
	v11 =	vmul.u32 $0x441, v7  }
0x168: {  	v12 =	vtrunc.f32 v4;
	v6 =	vcvt.s32.f32 v6;
	v9 =	vadd.s32 v8, v9  }
0x169: {  	v7 =	vcvt.s32.f32 v7;
	v8 =	vcvt.s32.f32 v8;
	v9 =	vadd.s32 v11, v9  }
0x16a: {  	v6 =	vsub.f32 v1, v6;
	v11 =	vcvt.f32.s32 v12;
	v12 =	vadd.s32 $0x1, v9  }
0x16b: {  	v13 =	vtrunc.f32 v5;
	v2 =	vsub.f32 v2, v7;
	v7 =	vmul.f32 v10, v0  }
0x16c: {  	v1 =	vcvt.f32.s32 v13;
	v3 =	vsub.f32 v3, v8;
	v10 =	vsub.f32 $1.000000000e+00, v6  }
0x16d: {  	v13 =	vsub.f32 $1.000000000e+00, v2;
	v14 =	vtrunc.f32 v7;
	v15 =	vadd.s32 $0x2, v9  }
0x16e: {  	v8 =	vmul.u32 $0x21, v11;
	v11 =	vcvt.s32.f32 v11;
	v14 =	vcvt.f32.s32 v14;
	v16 =	vld.idx.msk [tilespmem:v9+s4+$0x0], $0xffff  }
0x16f: {  	v18 =	vsub.f32 $1.000000000e+00, v3;
	v19 =	vmul.f32 v13, v10;
	v13 =	vmul.f32 v13, v6;
	v17 =	vld.idx.msk [tilespmem:v12+s4+$0x0], $0xffff  }
0x170: {  	v10 =	vmul.f32 v2, v10;
	v4 =	vsub.f32 v4, v11;
	v11 =	vcvt.s32.f32 v1  }
0x171: {  	v1 =	vmul.u32 $0x441, v1;
	v21 =	vmul.f32 v19, v18;
	v19 =	vmul.f32 v19, v3;
	v20 =	vld.idx.msk [tilespmem:v12+s2+$0x0], $0xffff  }
0x172: {  	v22 =	vcvt.s32.f32 v14;
	v8 =	vadd.s32 v14, v8;
	v14 =	vmul.f32 v13, v18  }
0x173: {  	v5 =	vsub.f32 v5, v11;
	v11 =	vld.idx.msk [tilespmem:v15+s2+$0x0], $0xffff;
	v23 =	vpack.i.f32.bf16 v21, v21;
	v24 =	vpack.i.f32.bf16 v19, v19  }
0x174: {  	v8 =	vadd.s32 v1, v8;
	v1 =	vmul.bf16 v16, v23;
	v16 =	vmul.bf16 v17, v24  }
0x175: {  	v2 =	vmul.f32 v2, v6;
	v13 =	vmul.f32 v13, v3;
	v23 =	vpack.i.f32.bf16 v14, v14;
	v17 =	vld.idx.msk [tilespmem:v12+s21+$0x0], $0xffff  }
0x176: {  	v9 =	vadd.s32 $0x3, v9;
	v20 =	vmul.bf16 v20, v23;
	v16 =	vadd.bf16 v16, v1  }
0x177: {  	v25 =	vmul.f32 v10, v18;
	v10 =	vmul.f32 v10, v3;
	v26 =	vpack.i.f32.bf16 v13, v13;
	v24 =	vld.idx.msk [tilespmem:v15+s21+$0x0], $0xffff  }
0x178: {  	v27 =	vmul.f32 v2, v3;
	v11 =	vmul.bf16 v11, v26;
	v16 =	vadd.bf16 v20, v16  }
0x179: {  	v6 =	vpack.i.f32.bf16 v25, v25;
	v23 =	vsub.f32 $1.000000000e+00, v4;
	v1 =	vadd.s32 $0x1, v8;
	v20 =	vld.idx.msk [tilespmem:v15+s25+$0x0], $0xffff  }
0x17a: {  	v26 =	vsub.f32 $1.000000000e+00, v5;
	v6 =	vmul.bf16 v17, v6;
	v11 =	vadd.bf16 v11, v16  }
0x17b: {  	v7 =	vsub.f32 v7, v22;
	v17 =	vmul.f32 v2, v18;
	v18 =	vpack.i.f32.bf16 v10, v10;
	v16 =	vld.idx.msk [tilespmem:v9+s25+$0x0], $0xffff  }
0x17c: {  	v22 =	vmul.f32 v26, v23;
	v6 =	vadd.bf16 v6, v11;
	v11 =	vmul.bf16 v24, v18  }
0x17d: {  	v28 =	vld.idx.msk [tilespmem:v8+s4+$0x0], $0xffff;
	v26 =	vmul.f32 v26, v4;
	v3 =	vpack.i.f32.bf16 v17, v17;
	v24 =	vsub.f32 $1.000000000e+00, v7  }
0x17e: {  	v2 =	vadd.s32 $0x2, v8;
	v18 =	vld.idx.msk [tilespmem:v1+s4+$0x0], $0xffff;
	v3 =	vmul.bf16 v20, v3;
	v6 =	vadd.bf16 v11, v6  }
0x17f: {  	v20 =	vmul.f32 v22, v7;
	v11 =	vmul.f32 v22, v24;
	v22 =	vpack.i.f32.bf16 v27, v27  }
0x180: {  	v29 =	vld.idx.msk [tilespmem:v1+s2+$0x0], $0xffff;
	v3 =	vadd.bf16 v3, v6;
	v6 =	vmul.bf16 v16, v22  }
0x181: {  	s17 =	simm.s32 $0x13930;
	v13 =	vpack.i.f32.bf16 v13, v14;
	v23 =	vmul.f32 v5, v23;
	v30 =	vmul.f32 v26, v24  }
0x182: {  	v14 =	vld [tilespmem:s17+$0x0];
	v16 =	vpack.i.f32.bf16 v11, v11;
	v22 =	vpack.i.f32.bf16 v20, v20;
	v3 =	vadd.bf16 v6, v3  }
0x183: {  	v18 =	vmul.bf16 v18, v22;
	v16 =	vmul.bf16 v28, v16;
	v22 =	vld.idx.msk [tilespmem:v2+s2+$0x0], $0xffff  }
0x184: {  	s13 =	simm.s32 $0x16110;
	v28 =	vpack.i.f32.bf16 v30, v30;
	v6 =	vmul.f32 v26, v7;
	v26 =	vld.idx.msk [tilespmem:v1+s21+$0x0], $0xffff;
	v31 =	vunpack.i.l.bf16.f32 v3  }
0x185: {  	s11 =	simm.s32 $0x16910;
	v8 =	vadd.s32 $0x3, v8;
	v28 =	vmul.bf16 v29, v28;
	v29 =	vld.idx.msk [tilespmem:v2+s21+$0x0], $0xffff;
	v3 =	vunpack.i.u.bf16.f32 v3;
	[tilespmem:s13+$0x0] =	vst v31  }
0x186: {  	v4 =	vmul.f32 v5, v4;
	v5 =	vadd.bf16 v18, v16;
	v16 =	vld.idx.msk [tilespmem:v2+s25+$0x0], $0xffff;
	[tilespmem:s11+$0x0] =	vst v3  }
0x187: {  	v18 =	vmul.f32 v23, v24;
	v3 =	vpack.i.f32.bf16 v6, v6;
	v12 =	vld.idx.msk [tilespmem:v12+s26+$0x0], $0xffff  }
0x188: {  	v14 =	vmul.f32 v14, v0;
	v5 =	vadd.bf16 v28, v5;
	v3 =	vmul.bf16 v22, v3;
	v22 =	vld.idx.msk [tilespmem:v15+s28+$0x0], $0xffff  }
0x189: {  	v23 =	vmul.f32 v23, v7;
	v24 =	vmul.f32 v4, v24;
	v28 =	vpack.i.f32.bf16 v18, v18;
	v15 =	vld.idx.msk [tilespmem:v15+s1+$0x0], $0xffff  }
0x18a: {  	v4 =	vmul.f32 v4, v7;
	v7 =	vmul.bf16 v26, v28;
	v26 =	vld.idx.msk [tilespmem:v8+s25+$0x0], $0xffff;
	v5 =	vadd.bf16 v3, v5  }
0x18b: {  	v10 =	vpack.i.f32.bf16 v10, v25;
	v31 =	vpack.i.f32.bf16 v23, v23;
	v28 =	vld.idx.msk [tilespmem:v9+s5+$0x0], $0xffff;
	v9 =	vpack.i.f32.bf16 v19, v21  }
0x18c: {  	s14 =	simm.s32 $0x14130;
	v3 =	vpack.i.f32.bf16 v20, v11;
	v20 =	vmul.bf16 v29, v31;
	v5 =	vadd.bf16 v7, v5  }
0x18d: {  	s20 =	simm.s32 $0x13130;
	v11 =	vpack.i.f32.bf16 v24, v24;
	v7 =	vld [tilespmem:s14+$0x0];
	v9 =	vmul.bf16 v12, v9;
	v12 =	vmul.bf16 v22, v13  }
0x18e: {  	v6 =	vpack.i.f32.bf16 v6, v30;
	v11 =	vmul.bf16 v16, v11;
	v13 =	vld [tilespmem:s20+$0x0];
	v5 =	vadd.bf16 v20, v5  }
0x18f: {  	v16 =	vpack.i.f32.bf16 v4, v4;
	v10 =	vmul.bf16 v15, v10;
	v12 =	vadd.bf16 v12, v9  }
0x190: {  	v15 =	vpack.i.f32.bf16 v27, v17;
	v5 =	vadd.bf16 v11, v5;
	v11 =	vmul.bf16 v26, v16  }
0x191: {  	v9 =	vpack.i.f32.bf16 v23, v18;
	v16 =	vld [tilespmem:s17+$0xFFFFFFF0];
	v10 =	vadd.bf16 v10, v12;
	v12 =	vmul.bf16 v28, v15  }
0x192: {  	v15 =	vld [tilespmem:s14+$0xFFFFFFF0];
	v17 =	vmul.f32 v7, v0;
	v7 =	vpack.i.f32.bf16 v4, v24;
	v5 =	vadd.bf16 v11, v5  }
0x193: {  	v13 =	vmul.f32 v13, v0;
	v4 =	vadd.bf16 v12, v10;
	v10 =	vtrunc.f32 v14  }
0x194: {  	v11 =	vld [tilespmem:s20+$0xFFFFFFF0];
	v12 =	vtrunc.f32 v17;
	v18 =	vunpack.i.u.bf16.f32 v5;
	v10 =	vcvt.f32.s32 v10  }
0x195: {  	v20 =	vtrunc.f32 v13;
	v19 =	vunpack.i.u.bf16.f32 v4;
	v4 =	vunpack.i.l.bf16.f32 v4  }
0x196: {  	v12 =	vcvt.f32.s32 v12;
	v16 =	vmul.f32 v16, v0;
	v4 =	vadd.f32 v4, v19  }
0x197: {  	v19 =	vcvt.f32.s32 v20;
	v20 =	vmul.u32 $0x21, v10;
	v15 =	vmul.f32 v15, v0  }
0x198: {  	v21 =	vmul.u32 $0x441, v12;
	v10 =	vcvt.s32.f32 v10;
	v12 =	vcvt.s32.f32 v12  }
0x199: {  	v23 =	vunpack.i.l.bf16.f32 v5;
	v11 =	vmul.f32 v11, v0;
	v22 =	vtrunc.f32 v16  }
0x19a: {  	v20 =	vadd.s32 v19, v20;
	v5 =	vcvt.f32.s32 v22;
	v22 =	vtrunc.f32 v15  }
0x19b: {  	v19 =	vcvt.s32.f32 v19;
	v10 =	vsub.f32 v14, v10;
	v20 =	vadd.s32 v21, v20  }
0x19c: {  	v12 =	vsub.f32 v17, v12;
	v22 =	vcvt.f32.s32 v22;
	v21 =	vadd.s32 $0x1, v20  }
0x19d: {  	[tilespmem:s13+$0xFFFFFFF0] =	vst v23;
	v25 =	vtrunc.f32 v11;
	v24 =	vmul.u32 $0x21, v5;
	v5 =	vcvt.s32.f32 v5  }
0x19e: {  	[tilespmem:s11+$0xFFFFFFF0] =	vst v18;
	v14 =	vcvt.f32.s32 v25;
	v13 =	vsub.f32 v13, v19;
	v17 =	vsub.f32 $1.000000000e+00, v10  }
0x19f: {  	v1 =	vld.idx.msk [tilespmem:v1+s26+$0x0], $0xffff;
	v19 =	vsub.f32 $1.000000000e+00, v12;
	v25 =	vadd.s32 $0x2, v20;
	v27 =	vsub.f32 v16, v5  }
0x1a0: {  	v5 =	vcvt.s32.f32 v22;
	v16 =	vmul.u32 $0x441, v22;
	v28 =	vcvt.s32.f32 v14;
	v26 =	vld.idx.msk [tilespmem:v20+s4+$0x0], $0xffff  }
0x1a1: {  	v29 =	vsub.f32 $1.000000000e+00, v13;
	v30 =	vmul.f32 v19, v17;
	v17 =	vmul.f32 v12, v17;
	v22 =	vld.idx.msk [tilespmem:v21+s4+$0x0], $0xffff  }
0x1a2: {  	v15 =	vsub.f32 v15, v5;
	v5 =	vadd.s32 v14, v24;
	v14 =	vmul.f32 v19, v10  }
0x1a3: {  	v37 =	vadd.s32 $0x3, v20;
	v31 =	vmul.f32 v30, v29;
	v30 =	vmul.f32 v30, v13;
	v19 =	vld.idx.msk [tilespmem:v21+s2+$0x0], $0xffff  }
0x1a4: {  	v1 =	vmul.bf16 v1, v3;
	v47 =	vsub.f32 $1.000000000e+00, v27;
	v49 =	vmul.f32 v17, v29  }
0x1a5: {  	v33 =	vld.idx.msk [tilespmem:v25+s2+$0x0], $0xffff;
	v34 =	vmul.f32 v14, v29;
	v35 =	vpack.i.f32.bf16 v31, v31;
	v36 =	vpack.i.f32.bf16 v30, v30  }
0x1a6: {  	v11 =	vsub.f32 v11, v28;
	v20 =	vmul.bf16 v26, v35;
	v22 =	vmul.bf16 v22, v36  }
0x1a7: {  	v24 =	vadd.s32 v16, v5;
	v14 =	vmul.f32 v14, v13;
	v48 =	vpack.i.f32.bf16 v34, v34;
	v26 =	vld.idx.msk [tilespmem:v21+s21+$0x0], $0xffff  }
0x1a8: {  	v16 =	vsub.f32 $1.000000000e+00, v15;
	v19 =	vmul.bf16 v19, v48;
	v20 =	vadd.bf16 v22, v20  }
0x1a9: {  	v10 =	vmul.f32 v12, v10;
	v23 =	vsub.f32 $1.000000000e+00, v11;
	v50 =	vpack.i.f32.bf16 v14, v14;
	v22 =	vld.idx.msk [tilespmem:v25+s21+$0x0], $0xffff  }
0x1aa: {  	v28 =	vmul.f32 v16, v47;
	v19 =	vadd.bf16 v19, v20;
	v20 =	vmul.bf16 v33, v50  }
0x1ab: {  	v12 =	vmul.f32 v17, v13;
	v51 =	vld.idx.msk [tilespmem:v25+s25+$0x0], $0xffff;
	v5 =	vadd.s32 $0x1, v24;
	v17 =	vpack.i.f32.bf16 v49, v49  }
0x1ac: {  	v8 =	vld.idx.msk [tilespmem:v8+s5+$0x0], $0xffff;
	v38 =	vmul.f32 v28, v23;
	v17 =	vmul.bf16 v26, v17;
	v19 =	vadd.bf16 v20, v19  }
0x1ad: {  	v26 =	vmul.f32 v28, v11;
	v28 =	vmul.f32 v10, v29;
	v29 =	vpack.i.f32.bf16 v12, v12;
	v20 =	vld.idx.msk [tilespmem:v37+s25+$0x0], $0xffff  }
0x1ae: {  	v32 =	vmul.f32 v15, v47;
	v17 =	vadd.bf16 v17, v19;
	v19 =	vmul.bf16 v22, v29  }
0x1af: {  	v40 =	vmul.f32 v16, v27;
	v39 =	vld.idx.msk [tilespmem:v24+s4+$0x0], $0xffff;
	v22 =	vmul.f32 v10, v13;
	v10 =	vpack.i.f32.bf16 v28, v28  }
0x1b0: {  	v16 =	vadd.s32 $0x2, v24;
	v52 =	vld.idx.msk [tilespmem:v5+s4+$0x0], $0xffff;
	v10 =	vmul.bf16 v51, v10;
	v17 =	vadd.bf16 v19, v17  }
0x1b1: {  	v7 =	vmul.bf16 v8, v7;
	v15 =	vmul.f32 v15, v27;
	v19 =	vld.idx.msk [tilespmem:v2+s28+$0x0], $0xffff;
	v41 =	vpack.i.f32.bf16 v22, v22  }
0x1b2: {  	v57 =	vmul.f32 v32, v23;
	v18 =	vld.idx.msk [tilespmem:v5+s2+$0x0], $0xffff;
	v10 =	vadd.bf16 v10, v17;
	v17 =	vmul.bf16 v20, v41  }
0x1b3: {  	v32 =	vmul.f32 v32, v11;
	v54 =	vmul.f32 v40, v11;
	v55 =	vld.idx.msk [tilespmem:v5+s21+$0x0], $0xffff;
	v53 =	vpack.i.f32.bf16 v26, v26  }
0x1b4: {  	v13 =	vpack.i.f32.bf16 v38, v38;
	v29 =	vmul.f32 v40, v23;
	v2 =	vld.idx.msk [tilespmem:v2+s1+$0x0], $0xffff;
	v10 =	vadd.bf16 v17, v10  }
0x1b5: {  	v33 =	vmul.bf16 v52, v53;
	v13 =	vmul.bf16 v39, v13;
	v17 =	vld.idx.msk [tilespmem:v16+s2+$0x0], $0xffff  }
0x1b6: {  	s16 =	simm.s32 $0x16130;
	v56 =	vld.idx.msk [tilespmem:v16+s21+$0x0], $0xffff;
	v20 =	vpack.i.f32.bf16 v29, v29;
	v6 =	vmul.bf16 v19, v6;
	v58 =	vunpack.i.l.bf16.f32 v10  }
0x1b7: {  	s30 =	simm.s32 $0x13950;
	s17 =	simm.s32 $0x16930;
	v42 =	vld.idx.msk [tilespmem:v16+s25+$0x0], $0xffff;
	v18 =	vmul.bf16 v18, v20;
	v20 =	vadd.s32 $0x3, v24;
	v10 =	vunpack.i.u.bf16.f32 v10;
	[tilespmem:s16+$0x0] =	vst v58  }
0x1b8: {  	v14 =	vpack.i.f32.bf16 v14, v34;
	v27 =	vpack.i.f32.bf16 v54, v54;
	v1 =	vadd.bf16 v6, v1;
	v6 =	vld [tilespmem:s30+$0x0];
	[tilespmem:s17+$0x0] =	vst v10  }
0x1b9: {  	v11 =	vmul.f32 v15, v11;
	v23 =	vmul.f32 v15, v23;
	v13 =	vadd.bf16 v33, v13;
	v21 =	vld.idx.msk [tilespmem:v21+s26+$0x0], $0xffff  }
0x1ba: {  	v24 =	vpack.i.f32.bf16 v32, v32;
	v2 =	vmul.bf16 v2, v9;
	v17 =	vmul.bf16 v17, v27;
	v27 =	vld.idx.msk [tilespmem:v25+s28+$0x0], $0xffff  }
0x1bb: {  	v18 =	vadd.bf16 v18, v13;
	v10 =	vpack.i.f32.bf16 v26, v38;
	v26 =	vpack.i.f32.bf16 v23, v23;
	v3 =	vld.idx.msk [tilespmem:v25+s1+$0x0], $0xffff  }
0x1bc: {  	v13 =	vpack.i.f32.bf16 v57, v57;
	v25 =	vmul.bf16 v42, v26;
	v26 =	vld.idx.msk [tilespmem:v20+s25+$0x0], $0xffff;
	v1 =	vadd.bf16 v2, v1  }
0x1bd: {  	s20 =	simm.s32 $0x14150;
	v24 =	vmul.bf16 v56, v24;
	v15 =	vmul.bf16 v55, v13;
	v9 =	vld.idx.msk [tilespmem:v37+s5+$0x0], $0xffff;
	v18 =	vadd.bf16 v17, v18  }
0x1be: {  	v13 =	vpack.i.f32.bf16 v54, v29;
	v29 =	vpack.i.f32.bf16 v11, v11;
	v1 =	vadd.bf16 v7, v1;
	v7 =	vld [tilespmem:s20+$0xFFFFFFF0]  }
0x1bf: {  	v17 =	vpack.i.f32.bf16 v11, v23;
	v11 =	vadd.bf16 v15, v18;
	v15 =	vld [tilespmem:s20+$0x0];
	v18 =	vpack.i.f32.bf16 v30, v31  }
0x1c0: {  	v12 =	vpack.i.f32.bf16 v12, v49;
	v18 =	vmul.bf16 v21, v18;
	v14 =	vmul.bf16 v27, v14  }
0x1c1: {  	s31 =	simm.s32 $0x13150;
	v19 =	vpack.i.f32.bf16 v32, v57;
	v6 =	vmul.f32 v6, v0;
	v8 =	vadd.bf16 v24, v11  }
0x1c2: {  	v3 =	vmul.bf16 v3, v12;
	v12 =	vmul.bf16 v26, v29;
	v11 =	vld [tilespmem:s31+$0x0];
	v2 =	vadd.bf16 v14, v18  }
0x1c3: {  	v14 =	vpack.i.f32.bf16 v22, v28;
	v7 =	vmul.f32 v7, v0;
	v8 =	vadd.bf16 v25, v8  }
0x1c4: {  	v2 =	vadd.bf16 v3, v2;
	v3 =	vmul.bf16 v9, v14;
	v9 =	vmul.f32 v15, v0  }
0x1c5: {  	v18 =	vld [tilespmem:s30+$0xFFFFFFF0];
	v14 =	vtrunc.f32 v6;
	v26 =	vtrunc.f32 v7;
	v8 =	vadd.bf16 v12, v8  }
0x1c6: {  	v14 =	vcvt.f32.s32 v14;
	v26 =	vcvt.f32.s32 v26;
	v3 =	vadd.bf16 v3, v2  }
0x1c7: {  	v12 =	vld [tilespmem:s31+$0xFFFFFFF0];
	v11 =	vmul.f32 v11, v0;
	v15 =	vtrunc.f32 v9;
	v21 =	vunpack.i.u.bf16.f32 v8  }
0x1c8: {  	v15 =	vcvt.f32.s32 v15;
	v22 =	vunpack.i.u.bf16.f32 v3;
	v3 =	vunpack.i.l.bf16.f32 v3  }
0x1c9: {  	v8 =	vunpack.i.l.bf16.f32 v8;
	v23 =	vtrunc.f32 v11;
	v22 =	vadd.f32 v3, v22  }
0x1ca: {  	v3 =	vmul.f32 v18, v0;
	v18 =	vcvt.f32.s32 v23;
	v23 =	vmul.u32 $0x21, v14  }
0x1cb: {  	v24 =	vmul.u32 $0x441, v15;
	v14 =	vcvt.s32.f32 v14;
	v15 =	vcvt.s32.f32 v15  }
0x1cc: {  	[tilespmem:s16+$0xFFFFFFF0] =	vst v8;
	v12 =	vmul.f32 v12, v0;
	v25 =	vtrunc.f32 v3;
	v23 =	vadd.s32 v18, v23  }
0x1cd: {  	[tilespmem:s17+$0xFFFFFFF0] =	vst v21;
	v18 =	vcvt.s32.f32 v18;
	v14 =	vsub.f32 v6, v14;
	v15 =	vsub.f32 v9, v15  }
0x1ce: {  	v5 =	vld.idx.msk [tilespmem:v5+s26+$0x0], $0xffff;
	v25 =	vcvt.f32.s32 v25;
	v23 =	vadd.s32 v24, v23;
	v28 =	vtrunc.f32 v12  }
0x1cf: {  	v56 =	vld.idx.msk [tilespmem:v16+s28+$0x0], $0xffff;
	v24 =	vadd.s32 $0x1, v23;
	v6 =	vcvt.f32.s32 v28;
	v18 =	vsub.f32 v11, v18  }
0x1d0: {  	v11 =	vsub.f32 $1.000000000e+00, v14;
	v29 =	vadd.s32 $0x2, v23;
	v50 =	vmul.f32 v15, v14  }
0x1d1: {  	v27 =	vmul.u32 $0x21, v25;
	v9 =	vcvt.s32.f32 v25;
	v25 =	vsub.f32 $1.000000000e+00, v15  }
0x1d2: {  	v31 =	vcvt.s32.f32 v6;
	v59 =	vsub.f32 $1.000000000e+00, v18;
	v47 =	vmul.f32 v15, v11  }
0x1d3: {  	v10 =	vmul.bf16 v5, v10;
	v30 =	vsub.f32 v3, v9;
	v3 =	vcvt.s32.f32 v26;
	v28 =	vld.idx.msk [tilespmem:v23+s4+$0x0], $0xffff  }
0x1d4: {  	v13 =	vmul.bf16 v56, v13;
	v9 =	vmul.u32 $0x441, v26;
	v60 =	vmul.f32 v25, v11;
	v26 =	vld.idx.msk [tilespmem:v24+s4+$0x0], $0xffff  }
0x1d5: {  	v25 =	vmul.f32 v25, v14;
	v31 =	vsub.f32 v12, v31;
	v61 =	vsub.f32 v7, v3  }
0x1d6: {  	v3 =	vadd.s32 v6, v27;
	v27 =	vld.idx.msk [tilespmem:v24+s2+$0x0], $0xffff;
	v6 =	vmul.f32 v60, v59;
	v7 =	vmul.f32 v60, v18  }
0x1d7: {  	v12 =	vmul.f32 v47, v59;
	v15 =	vmul.f32 v47, v18;
	v35 =	vadd.s32 v9, v3  }
0x1d8: {  	v44 =	vld.idx.msk [tilespmem:v29+s2+$0x0], $0xffff;
	v9 =	vmul.f32 v25, v59;
	v45 =	vpack.i.f32.bf16 v6, v6;
	v46 =	vpack.i.f32.bf16 v7, v7  }
0x1d9: {  	v40 =	vadd.s32 $0x3, v23;
	v23 =	vmul.bf16 v28, v45;
	v26 =	vmul.bf16 v26, v46  }
0x1da: {  	v62 =	vsub.f32 $1.000000000e+00, v30;
	v11 =	vmul.f32 v25, v18;
	v25 =	vpack.i.f32.bf16 v9, v9;
	v28 =	vld.idx.msk [tilespmem:v24+s21+$0x0], $0xffff  }
0x1db: {  	v18 =	vmul.f32 v50, v18;
	v25 =	vmul.bf16 v27, v25;
	v23 =	vadd.bf16 v26, v23  }
0x1dc: {  	v49 =	vsub.f32 $1.000000000e+00, v31;
	v3 =	vadd.s32 $0x1, v35;
	v48 =	vpack.i.f32.bf16 v11, v11;
	v26 =	vld.idx.msk [tilespmem:v29+s21+$0x0], $0xffff  }
0x1dd: {  	v63 =	vsub.f32 $1.000000000e+00, v61;
	v8 =	vadd.bf16 v25, v23;
	v23 =	vmul.bf16 v44, v48  }
0x1de: {  	v14 =	vpack.i.f32.bf16 v12, v12;
	v53 =	vpack.i.f32.bf16 v15, v15;
	v33 =	vmul.f32 v61, v62;
	v25 =	vld.idx.msk [tilespmem:v29+s25+$0x0], $0xffff  }
0x1df: {  	v36 =	vmul.f32 v63, v30;
	v54 =	vld.idx.msk [tilespmem:v35+s4+$0x0], $0xffff;
	v8 =	vadd.bf16 v23, v8;
	v23 =	vmul.bf16 v28, v14  }
0x1e0: {  	v43 =	vpack.i.f32.bf16 v18, v18;
	v27 =	vmul.f32 v63, v62;
	v28 =	vld.idx.msk [tilespmem:v40+s25+$0x0], $0xffff;
	v14 =	vmul.f32 v50, v59  }
0x1e1: {  	v62 =	vmul.f32 v33, v49;
	v51 =	vld.idx.msk [tilespmem:v3+s4+$0x0], $0xffff;
	v26 =	vmul.bf16 v26, v53;
	v23 =	vadd.bf16 v23, v8  }
0x1e2: {  	v52 =	vmul.f32 v27, v49;
	v8 =	vadd.s32 $0x2, v35;
	v55 =	vpack.i.f32.bf16 v14, v14  }
0x1e3: {  	v27 =	vmul.f32 v27, v31;
	v21 =	vld.idx.msk [tilespmem:v3+s2+$0x0], $0xffff;
	v25 =	vmul.bf16 v25, v55;
	v23 =	vadd.bf16 v26, v23  }
0x1e4: {  	v58 =	vld.idx.msk [tilespmem:v16+s1+$0x0], $0xffff;
	v33 =	vmul.f32 v33, v31;
	v57 =	vmul.f32 v36, v49;
	v16 =	vpack.i.f32.bf16 v52, v52  }
0x1e5: {  	v60 =	vld.idx.msk [tilespmem:v3+s21+$0x0], $0xffff;
	v26 =	vpack.i.f32.bf16 v27, v27;
	v23 =	vadd.bf16 v25, v23;
	v25 =	vmul.bf16 v28, v43  }
0x1e6: {  	v2 =	vunpack.i.u.bf16.f32 v1;
	v59 =	vld.idx.msk [tilespmem:v20+s5+$0x0], $0xffff;
	v16 =	vmul.bf16 v54, v16;
	v26 =	vmul.bf16 v51, v26  }
0x1e7: {  	s13 =	simm.s32 $0x17110;
	v20 =	vmul.f32 v36, v31;
	v28 =	vpack.i.f32.bf16 v57, v57;
	v23 =	vadd.bf16 v25, v23;
	v25 =	vld.idx.msk [tilespmem:v8+s2+$0x0], $0xffff  }
0x1e8: {  	s11 =	simm.s32 $0x17130;
	[tilespmem:s13+$0x0] =	vst v4;
	v5 =	vpack.i.f32.bf16 v33, v62;
	v21 =	vmul.bf16 v21, v28;
	v26 =	vadd.bf16 v26, v16  }
0x1e9: {  	s14 =	simm.s32 $0x16150;
	[tilespmem:s11+$0x0] =	vst v22;
	v28 =	vmul.f32 v61, v30;
	v30 =	vpack.i.f32.bf16 v20, v20;
	v61 =	vld.idx.msk [tilespmem:v8+s21+$0x0], $0xffff;
	v4 =	vunpack.i.l.bf16.f32 v23  }
0x1ea: {  	s16 =	simm.s32 $0x16950;
	v22 =	vld.idx.msk [tilespmem:v8+s25+$0x0], $0xffff;
	v16 =	vadd.s32 $0x3, v35;
	v63 =	vadd.bf16 v21, v26;
	v21 =	vunpack.i.u.bf16.f32 v23;
	[tilespmem:s14+$0x0] =	vst v4  }
0x1eb: {  	v41 =	vmul.f32 v28, v49;
	v44 =	vmul.f32 v28, v31;
	v4 =	vpack.i.f32.bf16 v62, v62;
	[tilespmem:s16+$0x0] =	vst v21  }
0x1ec: {  	v36 =	vmul.bf16 v60, v4;
	v4 =	vpack.i.f32.bf16 v27, v52;
	v21 =	vld.idx.msk [tilespmem:v24+s26+$0x0], $0xffff;
	v27 =	vmul.bf16 v25, v30  }
0x1ed: {  	v17 =	vmul.bf16 v59, v17;
	v23 =	vpack.i.f32.bf16 v33, v33;
	v28 =	vpack.i.f32.bf16 v41, v41;
	v25 =	vld.idx.msk [tilespmem:v29+s28+$0x0], $0xffff  }
0x1ee: {  	v26 =	vpack.i.f32.bf16 v44, v44;
	v31 =	vmul.bf16 v61, v23;
	v23 =	vld.idx.msk [tilespmem:v29+s1+$0x0], $0xffff;
	v30 =	vadd.bf16 v27, v63  }
0x1ef: {  	v28 =	vmul.bf16 v22, v28;
	v24 =	vpack.i.f32.bf16 v20, v57;
	v29 =	vld.idx.msk [tilespmem:v16+s25+$0x0], $0xffff;
	v20 =	vmul.bf16 v58, v19  }
0x1f0: {  	s20 =	simm.s32 $0x14170;
	s17 =	simm.s32 $0x40;
	v19 =	vld.idx.msk [tilespmem:v40+s5+$0x0], $0xffff;
	v27 =	vpack.i.f32.bf16 v44, v41;
	v32 =	vadd.bf16 v36, v30;
	v30 =	vadd.bf16 v13, v10  }
.LBB2_5:
0x1f1: {  	v22 =	vld [tilespmem:s20+$0x0];
	v6 =	vpack.i.f32.bf16 v7, v6;
	v7 =	vpack.i.f32.bf16 v11, v9;
	s30 =	sadd.s32 $0x20, s30;
	v1 =	vunpack.i.l.bf16.f32 v1;
	v13 =	vmovc v24;
	v10 =	vmovc v27  }
0x1f2: {  	s31 =	sadd.s32 $0x20, s31;
	v9 =	vld [tilespmem:s30+$0x0];
	v11 =	vadd.bf16 v31, v32;
	v6 =	vmul.bf16 v21, v6;
	v7 =	vmul.bf16 v25, v7  }
0x1f3: {  	v12 =	vpack.i.f32.bf16 v15, v12;
	v15 =	vadd.bf16 v20, v30;
	v2 =	vadd.f32 v1, v2;
	v21 =	vld [tilespmem:s31+$0x0]  }
0x1f4: {  	s17 =	sadd.s32 $0x20, s17;
	v20 =	vld [tilespmem:s30+$0xFFFFFFF0];
	v11 =	vadd.bf16 v28, v11;
	v6 =	vadd.bf16 v7, v6;
	v7 =	vmul.bf16 v23, v12  }
0x1f5: {  	v14 =	vpack.i.f32.bf16 v18, v14;
	p0 =	slt.u32 s17, $0x7E0;
	v23 =	vmul.bf16 v29, v26;
	v1 =	vadd.bf16 v17, v15;
	v12 =	vld [tilespmem:s20+$0xFFFFFFF0];
	[tilespmem:s13+$0xFFFFFFF0] =	vst v2;
	s13 =	smov.u32 s11  }
0x1f6: {  	v15 =	vld [tilespmem:s31+$0xFFFFFFF0];
	v2 =	vadd.bf16 v7, v6;
	v6 =	vmul.bf16 v19, v14  }
0x1f7: {  	v11 =	vadd.bf16 v23, v11;
	v7 =	vmul.f32 v9, v0;
	v9 =	vmul.f32 v22, v0  }
0x1f8: {  	v14 =	vmul.f32 v21, v0;
	v6 =	vadd.bf16 v6, v2;
	v2 =	vunpack.i.u.bf16.f32 v1  }
0x1f9: {  	v19 =	vunpack.i.u.bf16.f32 v11;
	v17 =	vtrunc.f32 v7;
	v18 =	vtrunc.f32 v9  }
0x1fa: {  	v17 =	vcvt.f32.s32 v17;
	v21 =	vunpack.i.u.bf16.f32 v6;
	v6 =	vunpack.i.l.bf16.f32 v6  }
0x1fb: {  	v22 =	vtrunc.f32 v14;
	v18 =	vcvt.f32.s32 v18;
	v6 =	vadd.f32 v6, v21  }
0x1fc: {  	s11 =	sadd.s32 $0x20, s11;
	v24 =	vmul.f32 v20, v0;
	v20 =	vcvt.f32.s32 v22;
	v21 =	vmul.u32 $0x21, v17  }
0x1fd: {  	v12 =	vmul.f32 v12, v0;
	v15 =	vmul.f32 v15, v0;
	v22 =	vmul.u32 $0x441, v18;
	[tilespmem:s11+$0x0] =	vst v6  }
0x1fe: {  	v11 =	vunpack.i.l.bf16.f32 v11;
	v6 =	vtrunc.f32 v24;
	v21 =	vadd.s32 v20, v21  }
0x1ff: {  	v23 =	vtrunc.f32 v12;
	v6 =	vcvt.f32.s32 v6;
	v25 =	vadd.s32 v22, v21;
	[tilespmem:s14+$0xFFFFFFF0] =	vst v11  }
0x200: {  	v11 =	vcvt.s32.f32 v17;
	v17 =	vcvt.s32.f32 v18;
	v21 =	vadd.s32 $0x1, v25;
	[tilespmem:s16+$0xFFFFFFF0] =	vst v19  }
0x201: {  	v20 =	vcvt.s32.f32 v20;
	v18 =	vcvt.f32.s32 v23;
	v26 =	vmul.u32 $0x21, v6;
	v19 =	vld.idx.msk [tilespmem:v3+s26+$0x0], $0xffff  }
0x202: {  	v3 =	vtrunc.f32 v15;
	v27 =	vsub.f32 v7, v11;
	v28 =	vsub.f32 v9, v17;
	v17 =	vld.idx.msk [tilespmem:v8+s28+$0x0], $0xffff  }
0x203: {  	v6 =	vcvt.s32.f32 v6;
	v29 =	vsub.f32 v14, v20;
	v3 =	vcvt.f32.s32 v3;
	v20 =	vld.idx.msk [tilespmem:v8+s1+$0x0], $0xffff  }
0x204: {  	v23 =	vadd.s32 $0x2, v25;
	v8 =	vsub.f32 $1.000000000e+00, v27;
	v7 =	vsub.f32 $1.000000000e+00, v28;
	v11 =	vld.idx.msk [tilespmem:v25+s4+$0x0], $0xffff  }
0x205: {  	v9 =	vmul.u32 $0x441, v18;
	v24 =	vsub.f32 v24, v6;
	v6 =	vcvt.s32.f32 v18;
	v14 =	vld.idx.msk [tilespmem:v21+s4+$0x0], $0xffff  }
0x206: {  	v30 =	vsub.f32 $1.000000000e+00, v29;
	v18 =	vcvt.s32.f32 v3;
	v31 =	vmul.f32 v7, v8;
	v22 =	vld.idx.msk [tilespmem:v16+s5+$0x0], $0xffff  }
0x207: {  	v3 =	vadd.s32 v3, v26;
	v16 =	vsub.f32 v12, v6;
	v12 =	vmul.f32 v7, v27;
	v26 =	vld.idx.msk [tilespmem:v21+s2+$0x0], $0xffff  }
0x208: {  	v32 =	vadd.s32 v9, v3;
	v6 =	vmul.f32 v31, v30;
	v7 =	vmul.f32 v31, v29  }
0x209: {  	v3 =	vadd.s32 $0x1, v32;
	v31 =	vsub.f32 $1.000000000e+00, v24;
	v33 =	vsub.f32 $1.000000000e+00, v16;
	v34 =	vld.idx.msk [tilespmem:v23+s2+$0x0], $0xffff  }
0x20a: {  	v9 =	vmul.f32 v12, v30;
	v35 =	vpack.i.f32.bf16 v6, v6;
	v36 =	vpack.i.f32.bf16 v7, v7  }
0x20b: {  	v37 =	vadd.s32 $0x3, v25;
	v25 =	vmul.bf16 v11, v35;
	v14 =	vmul.bf16 v14, v36;
	v35 =	vld.idx.msk [tilespmem:v21+s21+$0x0], $0xffff  }
0x20c: {  	v8 =	vmul.f32 v28, v8;
	v11 =	vmul.f32 v12, v29;
	v12 =	vpack.i.f32.bf16 v9, v9  }
0x20d: {  	v36 =	vsub.f32 v15, v18;
	v14 =	vadd.bf16 v14, v25;
	v15 =	vmul.bf16 v26, v12;
	v18 =	vld.idx.msk [tilespmem:v23+s21+$0x0], $0xffff  }
0x20e: {  	v25 =	vmul.f32 v33, v31;
	v12 =	vmul.f32 v8, v30;
	v38 =	vpack.i.f32.bf16 v11, v11;
	v26 =	vld.idx.msk [tilespmem:v3+s4+$0x0], $0xffff  }
0x20f: {  	v39 =	vsub.f32 $1.000000000e+00, v36;
	v14 =	vadd.bf16 v15, v14;
	v34 =	vmul.bf16 v34, v38;
	v38 =	vld.idx.msk [tilespmem:v23+s25+$0x0], $0xffff  }
0x210: {  	v27 =	vmul.f32 v28, v27;
	v15 =	vmul.f32 v8, v29;
	v8 =	vpack.i.f32.bf16 v12, v12;
	v40 =	vld.idx.msk [tilespmem:v32+s4+$0x0], $0xffff  }
0x211: {  	v28 =	vmul.f32 v25, v39;
	v34 =	vadd.bf16 v34, v14;
	v8 =	vmul.bf16 v35, v8;
	v35 =	vld.idx.msk [tilespmem:v37+s25+$0x0], $0xffff  }
0x212: {  	v25 =	vmul.f32 v25, v36;
	v14 =	vmul.f32 v27, v30;
	v30 =	vpack.i.f32.bf16 v15, v15;
	v41 =	vld.idx.msk [tilespmem:v3+s2+$0x0], $0xffff  }
0x213: {  	v33 =	vmul.f32 v33, v24;
	v34 =	vadd.bf16 v8, v34;
	v30 =	vmul.bf16 v18, v30;
	v42 =	vld.idx.msk [tilespmem:v3+s21+$0x0], $0xffff  }
0x214: {  	v8 =	vadd.s32 $0x2, v32;
	v18 =	vmul.f32 v27, v29;
	v27 =	vpack.i.f32.bf16 v14, v14  }
0x215: {  	v29 =	vpack.i.f32.bf16 v28, v28;
	v30 =	vadd.bf16 v30, v34;
	v27 =	vmul.bf16 v38, v27  }
0x216: {  	v34 =	vmul.f32 v33, v39;
	v38 =	vpack.i.f32.bf16 v25, v25;
	v43 =	vpack.i.f32.bf16 v18, v18  }
0x217: {  	v26 =	vmul.bf16 v26, v38;
	v27 =	vadd.bf16 v27, v30;
	v30 =	vmul.bf16 v35, v43  }
0x218: {  	v33 =	vmul.f32 v33, v36;
	v29 =	vmul.bf16 v40, v29;
	v35 =	vpack.i.f32.bf16 v34, v34  }
0x219: {  	v31 =	vmul.f32 v16, v31;
	v35 =	vmul.bf16 v41, v35;
	v27 =	vadd.bf16 v30, v27;
	v38 =	vld.idx.msk [tilespmem:v8+s2+$0x0], $0xffff  }
0x21a: {  	v24 =	vmul.f32 v16, v24;
	v26 =	vadd.bf16 v26, v29;
	v29 =	vpack.i.f32.bf16 v33, v33;
	v30 =	vld.idx.msk [tilespmem:v8+s21+$0x0], $0xffff  }
0x21b: {  	s14 =	sadd.s32 $0x20, s14;
	v40 =	vmul.f32 v31, v39;
	v41 =	vmul.f32 v31, v36;
	v31 =	vunpack.i.l.bf16.f32 v27;
	v43 =	vld.idx.msk [tilespmem:v8+s25+$0x0], $0xffff  }
0x21c: {  	s16 =	sadd.s32 $0x20, s16;
	v16 =	vadd.s32 $0x3, v32;
	v32 =	vadd.bf16 v35, v26;
	v26 =	vunpack.i.u.bf16.f32 v27;
	[tilespmem:s14+$0x0] =	vst v31  }
0x21d: {  	v35 =	vpack.i.f32.bf16 v41, v41;
	v27 =	vmul.f32 v24, v39;
	v31 =	vpack.i.f32.bf16 v40, v40;
	[tilespmem:s16+$0x0] =	vst v26  }
0x21e: {  	v28 =	vpack.i.f32.bf16 v25, v28;
	v36 =	vmul.f32 v24, v36;
	v39 =	vmul.bf16 v42, v31;
	v21 =	vld.idx.msk [tilespmem:v21+s26+$0x0], $0xffff  }
.Ltmp3:
0x21f: {  	v24 =	vpack.i.f32.bf16 v33, v34;
	v29 =	vmul.bf16 v38, v29;
	v38 =	vpack.i.f32.bf16 v27, v27;
	v25 =	vld.idx.msk [tilespmem:v23+s28+$0x0], $0xffff;
	(pc) =	sbr.rel @p0 .LBB2_5-.Ltmp3, $4  }
0x220: {  	v26 =	vpack.i.f32.bf16 v36, v36;
	v31 =	vmul.bf16 v30, v35;
	v30 =	vmul.bf16 v19, v4;
	v4 =	vmovc v28  }
0x221: {  	v13 =	vmul.bf16 v17, v13;
	v19 =	vadd.bf16 v29, v32;
	v28 =	vmul.bf16 v43, v38;
	v23 =	vld.idx.msk [tilespmem:v23+s1+$0x0], $0xffff  }
0x222: {  	v20 =	vmul.bf16 v20, v5;
	v5 =	vpack.i.f32.bf16 v41, v40;
	v27 =	vpack.i.f32.bf16 v36, v27;
	v29 =	vld.idx.msk [tilespmem:v16+s25+$0x0], $0xffff  }
0x223: {  	s20 =	sadd.s32 $0x20, s20;
	v17 =	vmul.bf16 v22, v10;
	v30 =	vadd.bf16 v13, v30;
	v32 =	vadd.bf16 v39, v19;
	v19 =	vld.idx.msk [tilespmem:v37+s5+$0x0], $0xffff  }
0x224: {  	_ = 	snop  }
0x225: {  	v10 =	vadd.bf16 v31, v32;
	_ =	sdelay $0x1  }
0x226: {  	v10 =	vadd.bf16 v28, v10;
	v13 =	vmul.bf16 v29, v26;
	_ =	sdelay $0x1  }
0x227: {  	v10 =	vadd.bf16 v13, v10;
	_ =	sdelay $0x1  }
0x228: {  	v13 =	vunpack.i.l.bf16.f32 v10  }
0x229: {  	v10 =	vunpack.i.u.bf16.f32 v10;
	[tilespmem:s14+$0xFFFFFFF0] =	vst v13  }
0x22a: {  	[tilespmem:s16+$0xFFFFFFF0] =	vst v10  }
0x22b: {  	v3 =	vld.idx.msk [tilespmem:v3+s26+$0x0], $0xffff  }
0x22c: {  	v10 =	vld.idx.msk [tilespmem:v8+s28+$0x0], $0xffff;
	_ =	sdelay $0x1  }
0x22d: {  	v52 =	vld.idx.msk [tilespmem:v8+s1+$0x0], $0xffff  }
0x22e: {  	v6 =	vpack.i.f32.bf16 v7, v6;
	v51 =	vpack.i.f32.bf16 v11, v9  }
0x22f: {  	v53 =	vpack.i.f32.bf16 v15, v12;
	v6 =	vmul.bf16 v21, v6;
	v7 =	vmul.bf16 v25, v51;
	v55 =	vld.idx.msk [tilespmem:v16+s5+$0x0], $0xffff  }
0x230: {  	v57 =	vpack.i.f32.bf16 v18, v14;
	v3 =	vmul.bf16 v3, v4;
	v56 =	vmul.bf16 v10, v24  }
0x231: {  	v1 =	vunpack.i.l.bf16.f32 v1;
	v54 =	vmul.bf16 v23, v53;
	v6 =	vadd.bf16 v7, v6  }
0x232: {  	v59 =	vadd.bf16 v20, v30;
	v5 =	vmul.bf16 v52, v5;
	v3 =	vadd.bf16 v56, v3  }
0x233: {  	v1 =	vadd.f32 v1, v2;
	v58 =	vmul.bf16 v19, v57;
	v6 =	vadd.bf16 v54, v6  }
0x234: {  	v2 =	vadd.bf16 v17, v59;
	v60 =	vmul.bf16 v55, v27;
	v3 =	vadd.bf16 v5, v3  }
0x235: {  	v6 =	vadd.bf16 v58, v6  }
0x236: {  	v63 =	vunpack.i.u.bf16.f32 v2;
	v2 =	vunpack.i.l.bf16.f32 v2;
	v3 =	vadd.bf16 v60, v3  }
0x237: {  	[tilespmem:s13+$0xFFFFFFF0] =	vst v1;
	v1 =	vadd.f32 v2, v63;
	v61 =	vunpack.i.u.bf16.f32 v6;
	v62 =	vunpack.i.l.bf16.f32 v6  }
0x238: {  	s14 =	sadd.s32 s12, s29;
	v4 =	vadd.f32 v62, v61;
	v2 =	vunpack.i.u.bf16.f32 v3;
	v3 =	vunpack.i.l.bf16.f32 v3  }
0x239: {  	s20 =	sadd.s32 $0x20, s11;
	[tilespmem:s11+$0xFFFFFFF0] =	vst v1;
	s30 =	sor.u32 s14, s8;
	v2 =	vadd.f32 v3, v2  }
0x23a: {  	s31 =	sshrl.u32 s30, $0x3;
	[tilespmem:s20+$0x0] =	vst v4  }
0x23b: {  	s16 =	simm.s32 $0x16100;
	s17 =	sor.u32 s14, s9;
	s11 =	sadd.s32 s6, s31;
	[tilespmem:s20+$0xFFFFFFF0] =	vst v2  }
0x23c: {  	[hbm4b:s11+s23] =	stream.strided.scatter [tilespmem:s16], [sflag:$0x4], $0x800, s24, s23, $0x38;
	[tilespmem:$0x17980] =	vst v63  }
0x23d: {  	s30 =	sor.u32 s14, s10;
	s11 =	sshrl.u32 s17, $0x3  }
.Ltmp4:
0x23e: {  	s20 =	simm.s32 $0x16900;
	s11 =	sadd.s32 s6, s11;
	(pc) =	sbr.rel @p1 .LBB2_8-.Ltmp4, $4  }
0x23f: {  	[hbm4b:s11+s23] =	stream.strided.scatter [tilespmem:s20], [sflag:$0x4], $0x800, s24, s23, $0x38;
	[tilespmem:$0x17980] =	vst v63  }
0x240: {  	s11 =	sshrl.u32 s30, $0x3  }
0x241: {  	s31 =	simm.s32 $0x17100;
	s11 =	sadd.s32 s6, s11  }
0x242: {  	[hbm4b:s11+s23] =	stream.strided.scatter [tilespmem:s31], [sflag:$0x4], $0x800, s24, s23, $0x38;
	[tilespmem:$0x17980] =	vst v63  }
0x243: {  	s11 =	sadd.s32 s29, s19  }
0x244: {  	s13 =	sadd.s32 s8, s11  }
0x245: {  	s13 =	sshrl.u32 s13, $0x3  }
0x246: {  	s14 =	simm.s32 $0x13100;
	s29 =	sadd.s32 s9, s11;
	s13 =	sadd.s32 s3, s13  }
0x247: {  	[tilespmem:s14], [sflag:$0x2] =	stream.strided.gather [hbm4b:s13+s23], $0x800, s24, s23, $0x38;
	[tilespmem:$0x17980] =	vst v63  }
.Ltmp5:
0x248: {  	s11 =	sadd.s32 s10, s11;
	s13 =	sshrl.u32 s29, $0x3;
	(pc) =	sbr.rel .LBB2_2-.Ltmp5, $4  }
0x249: {  	s30 =	simm.s32 $0x13900;
	s11 =	sshrl.u32 s11, $0x3;
	s13 =	sadd.s32 s3, s13  }
0x24a: {  	[tilespmem:s30], [sflag:$0x2] =	stream.strided.gather [hbm4b:s13+s23], $0x800, s24, s23, $0x38;
	[tilespmem:$0x17980] =	vst v63  }
0x24b: {  	s31 =	simm.s32 $0x14100;
	s22 =	sadd.s32 $0x1, s22;
	s11 =	sadd.s32 s3, s11  }
0x24c: {  	[tilespmem:s31], [sflag:$0x2] =	stream.strided.gather [hbm4b:s11+s23], $0x800, s24, s23, $0x38;
	[tilespmem:$0x17980] =	vst v63  }
.LBB2_9:
0x24d: {  	_ =	sfence.sel $0x180000  }
0x24e: {  	[bflag:$0x0] =	sbarrier.arrive $0xFFFF  }
0x24f: {  	_ =	strace $0x90000047  }
0x250: {  	s0 =	stileid.u32;
	[bflag:$0x2] =	sbarrier.arrive $0xFFFF  }
0x251: {  	p0 =	sne.s32 s0, $0x0;
	s0 =	rddreg [dreg:$0x2]  }
0x252: {  	s0 =	sadd.s32 @!p0 $0x100000, s0  }
0x253: {  	[sflag:s0] =	ssyncadd.tile.s32 @!p0 $0x1;
	_ =	shalt  }
.Lfunc_end2:
_tile_overlayer_lowered:
.L_overlay_start_2:
0x254: {  	(tag) =	ssettag $0x2  }
0x255: {  	s0 =	rddreg [dreg:$0x0];
	s2 =	stileid.u32  }
0x256: {  	s1 =	rddreg [dreg:$0x1];
	p0 =	sne.s32 s2, $0x0  }
0x257: {  	s3 =	rddreg [dreg:$0x2];
	[bflag:$0x3] =	sbarrier.arrive $0xFFFF;
	s2 =	simm.s32 @!p0 $0x1C05  }
0x258: {  	[timem:s3], [sflag:s2] =	dma.local @!p0 [hbm:s0], s1  }
0x259: {  	s0 =	simm.s32 @!p0 $0x5  }
0x25a: {  	_ =	swait.ge @!p0 [sflag:s0], s1  }
0x25b: {  	s1 =	ssub.s32 @!p0 $0x0, s1;
	[sflag:s0] =	ssyncset.done @!p0 $0x0  }
0x25c: {  	[sflag:s0] =	ssyncadd.s32 @!p0 s1  }
0x25d: {  	[bflag:$0x3] =	sbarrier.arrive $0xFFFF  }
0x25e: {  	_ =	shalt  }

</sc_bundles>
